<compile_context>
chip_gen: v7x
topology: tpu7x:2x2x1
jax: 0.10.2.dev20260603
libtpu: 0.0.44.dev20260713+nightly
codegen_flags: <defaults>
</compile_context>

<pallas_src>
import functools

import jax
import jax.numpy as jnp
from jax import lax
from jax.experimental import pallas as pl
from jax.experimental.pallas import tpu as pltpu
from jax.experimental.pallas import tpu_sc as plsc

_RADIUS2 = 0.1 * 0.1
_NSAMPLE = 32
_L = 16
_K = 4
_CB = 64
_Q = 4


def _fused_body(nb, pb, n, p_total, nrows, xyz_t_hbm, nxyz_t_hbm, feat_hbm,
                out_hbm, x_ref, y_ref, z_ref, cx_ref, cy_ref, cz_ref,
                stage_ref, gstage_ref, tmp0_ref, tmp1_ref, tmp2_ref, tmp3_ref,
                row_ref, idx_ref, ostage_ref, shared_ref):
    tmp_refs = (tmp0_ref, tmp1_ref, tmp2_ref, tmp3_ref)
    wid = lax.axis_index("c") * 16 + lax.axis_index("s")
    b = wid // nb
    cb = wid % nb
    pchunk = p_total * _NSAMPLE
    pltpu.sync_copy(xyz_t_hbm.at[pl.ds((b * 3 + 0) * n, n)], x_ref)
    pltpu.sync_copy(xyz_t_hbm.at[pl.ds((b * 3 + 1) * n, n)], y_ref)
    pltpu.sync_copy(xyz_t_hbm.at[pl.ds((b * 3 + 2) * n, n)], z_ref)
    cstart = cb * pb
    pltpu.sync_copy(nxyz_t_hbm.at[pl.ds((b * 3 + 0) * p_total + cstart, pb)],
                    cx_ref)
    pltpu.sync_copy(nxyz_t_hbm.at[pl.ds((b * 3 + 1) * p_total + cstart, pb)],
                    cy_ref)
    pltpu.sync_copy(nxyz_t_hbm.at[pl.ds((b * 3 + 2) * p_total + cstart, pb)],
                    cz_ref)
    iota = lax.iota(jnp.int32, _L)
    zeros16 = jnp.zeros((_L,), jnp.int32)
    nblk = n // (_L * _CB)

    def per_group(g, carry):
        p0 = g * _K
        cxs, cys, czs = [], [], []
        for k in range(_K):
            pv = zeros16 + (p0 + k)
            cxs.append(plsc.load_gather(cx_ref, [pv]))
            cys.append(plsc.load_gather(cy_ref, [pv]))
            czs.append(plsc.load_gather(cz_ref, [pv]))
            tmp_refs[k][pl.ds(0, _L)] = zeros16

        def chunk(j, cnts):
            base = j * _L
            px = x_ref[pl.ds(base, _L)]
            py = y_ref[pl.ds(base, _L)]
            pz = z_ref[pl.ds(base, _L)]
            iv = iota + base
            out = []
            for k in range(_K):
                dx = cxs[k] - px
                dy = cys[k] - py
                dz = czs[k] - pz
                d2 = (dx * dx + dy * dy) + dz * dz
                m = d2 < _RADIUS2
                incl = plsc.cumsum(m.astype(jnp.int32))
                pos = jnp.minimum(cnts[k] + incl, 47)
                plsc.store_scatter(tmp_refs[k], [pos], iv, mask=m)
                out.append(cnts[k] + plsc.all_reduce_population_count(m))
            return tuple(out)

        def blk_cond(state):
            blk = state[0]
            cnts = state[1:]
            cmin = jnp.minimum(jnp.minimum(cnts[0], cnts[1]),
                               jnp.minimum(cnts[2], cnts[3]))
            return jnp.logical_and(blk < nblk, jnp.min(cmin) < _NSAMPLE - 1)

        def blk_body(state):
            blk = state[0]
            cnts = plsc.parallel_loop(blk * _CB, (blk + 1) * _CB, unroll=4,
                                      carry=state[1:])(chunk)
            return (blk + 1,) + cnts

        state = (jnp.int32(0),) + tuple(zeros16 - 1 for _ in range(_K))
        state = lax.while_loop(blk_cond, blk_body, state)
        cnts_fin = state[1:]

        for k in range(_K):
            cnt = cnts_fin[k] + 1
            v0 = tmp_refs[k][pl.ds(0, _L)]
            first = zeros16 + jnp.min(
                jnp.where(iota == 0, v0, jnp.int32(2**30)))
            for h in range(_NSAMPLE // _L):
                lane = iota + (_L * h)
                v = tmp_refs[k][pl.ds(_L * h, _L)]
                ov = jnp.where(lane < cnt, v, first)
                goff = (p0 + k) * _NSAMPLE + _L * h
                stage_ref[pl.ds(goff, _L)] = ov
                gstage_ref[pl.ds(goff, _L)] = (
                    plsc.load_gather(x_ref, [ov]) - cxs[k])
                gstage_ref[pl.ds(pb * _NSAMPLE + goff, _L)] = (
                    plsc.load_gather(y_ref, [ov]) - cys[k])
                gstage_ref[pl.ds(2 * pb * _NSAMPLE + goff, _L)] = (
                    plsc.load_gather(z_ref, [ov]) - czs[k])
        return carry

    lax.fori_loop(0, pb // _K, per_group, 0)
    pltpu.sync_copy(
        stage_ref,
        shared_ref.at[pl.ds((b % 2) * pchunk + cstart * _NSAMPLE,
                            pb * _NSAMPLE)])
    for ch in range(3):
        pltpu.sync_copy(
            gstage_ref.at[pl.ds(ch * pb * _NSAMPLE, pb * _NSAMPLE)],
            out_hbm.at[pl.ds(((b * nrows + ch) * p_total + cstart) * _NSAMPLE,
                             pb * _NSAMPLE)])
    plsc.subcore_barrier()

    nfeat = nrows - 3
    pltpu.sync_copy(shared_ref.at[pl.ds((b % 2) * pchunk, pchunk)], idx_ref)
    pq = p_total // _Q

    def per_task(t, carry):
        c = cb + nb * t
        pltpu.sync_copy(feat_hbm.at[pl.ds((b * nfeat + c) * n, n)], row_ref)

        def quarter(q, carry2):
            qbase = q * pq

            @plsc.parallel_loop(0, pq, unroll=4)
            def per_p(p):
                for h in range(_NSAMPLE // _L):
                    loc = p * _NSAMPLE + _L * h
                    iv = idx_ref[pl.ds(qbase * _NSAMPLE + loc, _L)]
                    ostage_ref[pl.ds(loc, _L)] = plsc.load_gather(
                        row_ref, [iv])

            pltpu.sync_copy(
                ostage_ref,
                out_hbm.at[pl.ds(((b * nrows + 3 + c) * p_total + qbase)
                                 * _NSAMPLE, pq * _NSAMPLE)])
            return carry2

        lax.fori_loop(0, _Q, quarter, 0)
        return carry

    lax.fori_loop(0, nfeat // nb, per_task, 0)


def kernel(xyz, new_xyz, features):
    B, N, _ = xyz.shape
    P = new_xyz.shape[1]
    C = features.shape[1]
    nrows = C + 3
    nb = 32 // B
    pb = P // nb
    mesh = plsc.VectorSubcoreMesh(core_axis_name="c", subcore_axis_name="s",
                                  num_cores=2, num_subcores=16)

    xyz_t = jnp.transpose(xyz, (0, 2, 1)).reshape(-1)
    nxyz_t = jnp.transpose(new_xyz, (0, 2, 1)).reshape(-1)
    feat_flat = features.reshape(-1)

    fused = pl.kernel(
        functools.partial(_fused_body, nb, pb, N, P, nrows),
        out_type=jax.ShapeDtypeStruct((B * nrows * P * _NSAMPLE,),
                                      jnp.float32),
        mesh=mesh,
        compiler_params=pltpu.CompilerParams(needs_layout_passes=False),
        scratch_types=[
            pltpu.VMEM((N,), jnp.float32),
            pltpu.VMEM((N,), jnp.float32),
            pltpu.VMEM((N,), jnp.float32),
            pltpu.VMEM((pb,), jnp.float32),
            pltpu.VMEM((pb,), jnp.float32),
            pltpu.VMEM((pb,), jnp.float32),
            pltpu.VMEM((pb * _NSAMPLE,), jnp.int32),
            pltpu.VMEM((3 * pb * _NSAMPLE,), jnp.float32),
            pltpu.VMEM((48,), jnp.int32),
            pltpu.VMEM((48,), jnp.int32),
            pltpu.VMEM((48,), jnp.int32),
            pltpu.VMEM((48,), jnp.int32),
            pltpu.VMEM((N,), jnp.float32),
            pltpu.VMEM((P * _NSAMPLE,), jnp.int32),
            pltpu.VMEM((P * _NSAMPLE // _Q,), jnp.float32),
            pltpu.VMEM_SHARED((2 * P * _NSAMPLE,), jnp.int32),
        ],
    )
    out = fused(xyz_t, nxyz_t, feat_flat)
    return out.reshape(B, nrows, P, _NSAMPLE)

# --- scband reference (transcript-rebuilt; emitter-appended) ---
"""Pipeline reference for scband-query-and-group-21715354649168 (READ-ONLY COPY).

The authoritative reference and input builder live on the scoring server;
editing this copy changes nothing except your own understanding.
"""

import jax, jax.numpy as jnp
import numpy as np

RADIUS = 0.1
NSAMPLE = 32


def setup_inputs(seed: int = 0) -> dict:
    key = jax.random.key(seed)
    k1, k2, k3 = jax.random.split(key, 3)
    xyz = jax.random.uniform(k1, (4, 16384, 3), dtype=jnp.float32)
    new_xyz = jax.random.uniform(k2, (4, 1024, 3), dtype=jnp.float32)
    features = jax.random.normal(k3, (4, 64, 16384), dtype=jnp.float32)
    return {"xyz": xyz, "new_xyz": new_xyz, "features": features}


def ball_query(radius, nsample, xyz, new_xyz):
    # xyz: (B, N, 3), new_xyz: (B, npoint, 3) -> idx: (B, npoint, nsample) int32
    # Faithful to the pointnet2 CUDA kernel: take the first `nsample` point
    # indices (in increasing index order) whose squared distance to the center
    # is < radius^2; pad remaining slots with the first found index (0 if none).
    N = xyz.shape[1]
    diff = new_xyz[:, :, None, :] - xyz[:, None, :, :]          # (B, npoint, N, 3)
    dist2 = jnp.sum(diff * diff, axis=-1)                        # (B, npoint, N)
    mask = dist2 < (radius * radius)
    scores = jnp.where(mask, jnp.arange(N, dtype=jnp.int32)[None, None, :], N)
    sorted_idx = jnp.sort(scores, axis=-1)[..., :nsample]        # (B, npoint, nsample)
    first = sorted_idx[..., :1]
    first = jnp.where(first == N, 0, first)
    idx = jnp.where(sorted_idx == N, first, sorted_idx)
    return idx.astype(jnp.int32)


def grouping_operation(features, idx):
    # features: (B, C, N), idx: (B, npoint, nsample) -> (B, C, npoint, nsample)
    return jax.vmap(lambda f, i: f[:, i])(features, idx)


def reference(xyz, new_xyz, features):
    idx = ball_query(RADIUS, NSAMPLE, xyz, new_xyz)              # (B, npoint, nsample)
    xyz_trans = jnp.transpose(xyz, (0, 2, 1))                    # (B, 3, N)
    grouped_xyz = grouping_operation(xyz_trans, idx)             # (B, 3, npoint, nsample)
    grouped_xyz = grouped_xyz - jnp.transpose(new_xyz, (0, 2, 1))[..., None]
    grouped_features = grouping_operation(features, idx)         # (B, C, npoint, nsample)
    new_features = jnp.concatenate([grouped_xyz, grouped_features], axis=1)
    return new_features

if __name__ == "__main__":
    import jax
    _d = setup_inputs()
    print(jax.jit(kernel)(*tuple(_d.values())))

</pallas_src>

<mosaic_0001>
#map = affine_map<(d0, d1) -> (0)>
module attributes {stable_mosaic.version = 14 : i64} {
  func.func @_fused_body(%arg0: i32, %arg1: i32, %arg2: memref<196608xf32, #tpu.memory_space<hbm>>, %arg3: memref<12288xf32, #tpu.memory_space<hbm>>, %arg4: memref<4194304xf32, #tpu.memory_space<hbm>>, %arg5: memref<8781824xf32, #tpu.memory_space<hbm>>, %arg6: memref<16384xf32, #tpu.memory_space<vmem>>, %arg7: memref<16384xf32, #tpu.memory_space<vmem>>, %arg8: memref<16384xf32, #tpu.memory_space<vmem>>, %arg9: memref<128xf32, #tpu.memory_space<vmem>>, %arg10: memref<128xf32, #tpu.memory_space<vmem>>, %arg11: memref<128xf32, #tpu.memory_space<vmem>>, %arg12: memref<4096xi32, #tpu.memory_space<vmem>>, %arg13: memref<12288xf32, #tpu.memory_space<vmem>>, %arg14: memref<48xi32, #tpu.memory_space<vmem>>, %arg15: memref<48xi32, #tpu.memory_space<vmem>>, %arg16: memref<48xi32, #tpu.memory_space<vmem>>, %arg17: memref<48xi32, #tpu.memory_space<vmem>>, %arg18: memref<16384xf32, #tpu.memory_space<vmem>>, %arg19: memref<32768xi32, #tpu.memory_space<vmem>>, %arg20: memref<8192xf32, #tpu.memory_space<vmem>>, %arg21: memref<65536xi32, #tpu.memory_space<vmem_shared>>) attributes {dimension_semantics = [#tpu.dimension_semantics<core_parallel>, #tpu.dimension_semantics<subcore_parallel>], iteration_bounds = array<i64: 2, 16>, scalar_prefetch = 0 : i64, scratch_operands = 16 : i64, tpu.core_type = #tpu.core_type<sc_vector_subcore>, window_params = [{transform_indices = #map}, {transform_indices = #map}, {transform_indices = #map}, {transform_indices = #map}]} {
    %mul3A = arith.constant 16 : i32
    %mul3A_0 = arith.muli %arg0, %mul3A : i32
    %add3A = arith.addi %mul3A_0, %arg1 : i32
    %jit3A = arith.constant 8 : i32
    %div3A = arith.divsi %add3A, %jit3A : i32
    %sign3A = arith.constant 0 : i32
    %sign3A_1 = arith.cmpi sgt, %add3A, %sign3A : i32
    %sign3A_2 = arith.extui %sign3A_1 : i1 to i32
    %sign3A_3 = arith.constant 0 : i32
    %sign3A_4 = arith.cmpi slt, %add3A, %sign3A_3 : i32
    %sign3A_5 = arith.extui %sign3A_4 : i1 to i32
    %sign3A_6 = arith.subi %sign3A_2, %sign3A_5 : i32
    %sign3A_7 = arith.constant 0 : i32
    %sign3A_8 = arith.cmpi sgt, %jit3A, %sign3A_7 : i32
    %sign3A_9 = arith.extui %sign3A_8 : i1 to i32
    %sign3A_10 = arith.constant 0 : i32
    %sign3A_11 = arith.cmpi slt, %jit3A, %sign3A_10 : i32
    %sign3A_12 = arith.extui %sign3A_11 : i1 to i32
    %sign3A_13 = arith.subi %sign3A_9, %sign3A_12 : i32
    %ne3A = arith.cmpi ne, %sign3A_6, %sign3A_13 : i32
    %rem3A = arith.remsi %add3A, %jit3A : i32
    %ne3A_14 = arith.constant 0 : i32
    %ne3A_15 = arith.cmpi ne, %rem3A, %ne3A_14 : i32
    %and3A = arith.andi %ne3A, %ne3A_15 : i1
    %sub3A = arith.constant 1 : i32
    %sub3A_16 = arith.subi %div3A, %sub3A : i32
    %select_n3A = arith.select %and3A, %sub3A_16, %div3A : i32
    %jit3A_17 = arith.constant 8 : i32
    %eq3A = arith.constant 0 : i32
    %eq3A_18 = arith.cmpi eq, %jit3A_17, %eq3A : i32
    %jit3A_19 = arith.constant 1 : i32
    %select_n3A_20 = arith.select %eq3A_18, %jit3A_19, %jit3A_17 : i32
    %rem3A_21 = arith.remsi %add3A, %select_n3A_20 : i32
    %ne3A_22 = arith.constant 0 : i32
    %ne3A_23 = arith.cmpi ne, %rem3A_21, %ne3A_22 : i32
    %lt3A = arith.constant 0 : i32
    %lt3A_24 = arith.cmpi slt, %rem3A_21, %lt3A : i32
    %lt3A_25 = arith.constant 0 : i32
    %lt3A_26 = arith.cmpi slt, %select_n3A_20, %lt3A_25 : i32
    %ne3A_27 = arith.xori %lt3A_24, %lt3A_26 : i1
    %and3A_28 = arith.andi %ne3A_27, %ne3A_23 : i1
    %add3A_29 = arith.addi %rem3A_21, %select_n3A_20 : i32
    %select_n3A_30 = arith.select %and3A_28, %add3A_29, %rem3A_21 : i32
    %mul3A_31 = arith.constant 3 : i32
    %mul3A_32 = arith.muli %select_n3A, %mul3A_31 : i32
    %add3A_33 = arith.constant 0 : i32
    %add3A_34 = arith.addi %mul3A_32, %add3A_33 : i32
    %mul3A_35 = arith.constant 16384 : i32
    %mul3A_36 = arith.muli %add3A_34, %mul3A_35 : i32
    "tpu.region"() ({
      %run_scoped3A = tpu.sem_alloc : memref<!tpu.dma_semaphore, #tpu.memory_space<semaphore_mem>>
      %dma_start3A = tpu.memref_slice %arg2[%mul3A_36] : memref<196608xf32, #tpu.memory_space<hbm>> -> memref<16384xf32, #tpu.memory_space<hbm>>
      %dma_start3A_150 = tpu.memref_slice %arg2[%mul3A_36] : memref<196608xf32, #tpu.memory_space<hbm>> -> memref<16384xf32, #tpu.memory_space<hbm>>
      tpu.enqueue_dma source(%dma_start3A_150 : memref<16384xf32, #tpu.memory_space<hbm>>) target(%arg6 : memref<16384xf32, #tpu.memory_space<vmem>>) target_semaphore(%run_scoped3A : memref<!tpu.dma_semaphore, #tpu.memory_space<semaphore_mem>>)
      %dma_wait3A = tpu.memref_slice %arg2[%mul3A_36] : memref<196608xf32, #tpu.memory_space<hbm>> -> memref<16384xf32, #tpu.memory_space<hbm>>
      %dma_wait3A_151 = tpu.memref_slice %arg2[%mul3A_36] : memref<196608xf32, #tpu.memory_space<hbm>> -> memref<16384xf32, #tpu.memory_space<hbm>>
      tpu.wait_dma2 semaphore(%run_scoped3A : memref<!tpu.dma_semaphore, #tpu.memory_space<semaphore_mem>>) src(%dma_wait3A_151 : memref<16384xf32, #tpu.memory_space<hbm>>) dst(%arg6 : memref<16384xf32, #tpu.memory_space<vmem>>)
      tpu.yield
    }) : () -> ()
    %mul3A_37 = arith.constant 3 : i32
    %mul3A_38 = arith.muli %select_n3A, %mul3A_37 : i32
    %add3A_39 = arith.constant 1 : i32
    %add3A_40 = arith.addi %mul3A_38, %add3A_39 : i32
    %mul3A_41 = arith.constant 16384 : i32
    %mul3A_42 = arith.muli %add3A_40, %mul3A_41 : i32
    "tpu.region"() ({
      %run_scoped3A = tpu.sem_alloc : memref<!tpu.dma_semaphore, #tpu.memory_space<semaphore_mem>>
      %dma_start3A = tpu.memref_slice %arg2[%mul3A_42] : memref<196608xf32, #tpu.memory_space<hbm>> -> memref<16384xf32, #tpu.memory_space<hbm>>
      %dma_start3A_150 = tpu.memref_slice %arg2[%mul3A_42] : memref<196608xf32, #tpu.memory_space<hbm>> -> memref<16384xf32, #tpu.memory_space<hbm>>
      tpu.enqueue_dma source(%dma_start3A_150 : memref<16384xf32, #tpu.memory_space<hbm>>) target(%arg7 : memref<16384xf32, #tpu.memory_space<vmem>>) target_semaphore(%run_scoped3A : memref<!tpu.dma_semaphore, #tpu.memory_space<semaphore_mem>>)
      %dma_wait3A = tpu.memref_slice %arg2[%mul3A_42] : memref<196608xf32, #tpu.memory_space<hbm>> -> memref<16384xf32, #tpu.memory_space<hbm>>
      %dma_wait3A_151 = tpu.memref_slice %arg2[%mul3A_42] : memref<196608xf32, #tpu.memory_space<hbm>> -> memref<16384xf32, #tpu.memory_space<hbm>>
      tpu.wait_dma2 semaphore(%run_scoped3A : memref<!tpu.dma_semaphore, #tpu.memory_space<semaphore_mem>>) src(%dma_wait3A_151 : memref<16384xf32, #tpu.memory_space<hbm>>) dst(%arg7 : memref<16384xf32, #tpu.memory_space<vmem>>)
      tpu.yield
    }) : () -> ()
    %mul3A_43 = arith.constant 3 : i32
    %mul3A_44 = arith.muli %select_n3A, %mul3A_43 : i32
    %add3A_45 = arith.constant 2 : i32
    %add3A_46 = arith.addi %mul3A_44, %add3A_45 : i32
    %mul3A_47 = arith.constant 16384 : i32
    %mul3A_48 = arith.muli %add3A_46, %mul3A_47 : i32
    "tpu.region"() ({
      %run_scoped3A = tpu.sem_alloc : memref<!tpu.dma_semaphore, #tpu.memory_space<semaphore_mem>>
      %dma_start3A = tpu.memref_slice %arg2[%mul3A_48] : memref<196608xf32, #tpu.memory_space<hbm>> -> memref<16384xf32, #tpu.memory_space<hbm>>
      %dma_start3A_150 = tpu.memref_slice %arg2[%mul3A_48] : memref<196608xf32, #tpu.memory_space<hbm>> -> memref<16384xf32, #tpu.memory_space<hbm>>
      tpu.enqueue_dma source(%dma_start3A_150 : memref<16384xf32, #tpu.memory_space<hbm>>) target(%arg8 : memref<16384xf32, #tpu.memory_space<vmem>>) target_semaphore(%run_scoped3A : memref<!tpu.dma_semaphore, #tpu.memory_space<semaphore_mem>>)
      %dma_wait3A = tpu.memref_slice %arg2[%mul3A_48] : memref<196608xf32, #tpu.memory_space<hbm>> -> memref<16384xf32, #tpu.memory_space<hbm>>
      %dma_wait3A_151 = tpu.memref_slice %arg2[%mul3A_48] : memref<196608xf32, #tpu.memory_space<hbm>> -> memref<16384xf32, #tpu.memory_space<hbm>>
      tpu.wait_dma2 semaphore(%run_scoped3A : memref<!tpu.dma_semaphore, #tpu.memory_space<semaphore_mem>>) src(%dma_wait3A_151 : memref<16384xf32, #tpu.memory_space<hbm>>) dst(%arg8 : memref<16384xf32, #tpu.memory_space<vmem>>)
      tpu.yield
    }) : () -> ()
    %mul3A_49 = arith.constant 128 : i32
    %mul3A_50 = arith.muli %select_n3A_30, %mul3A_49 : i32
    %mul3A_51 = arith.constant 3 : i32
    %mul3A_52 = arith.muli %select_n3A, %mul3A_51 : i32
    %add3A_53 = arith.constant 0 : i32
    %add3A_54 = arith.addi %mul3A_52, %add3A_53 : i32
    %mul3A_55 = arith.constant 1024 : i32
    %mul3A_56 = arith.muli %add3A_54, %mul3A_55 : i32
    %add3A_57 = arith.addi %mul3A_56, %mul3A_50 : i32
    "tpu.region"() ({
      %run_scoped3A = tpu.sem_alloc : memref<!tpu.dma_semaphore, #tpu.memory_space<semaphore_mem>>
      %dma_start3A = tpu.memref_slice %arg3[%add3A_57] : memref<12288xf32, #tpu.memory_space<hbm>> -> memref<128xf32, #tpu.memory_space<hbm>>
      %dma_start3A_150 = tpu.memref_slice %arg3[%add3A_57] : memref<12288xf32, #tpu.memory_space<hbm>> -> memref<128xf32, #tpu.memory_space<hbm>>
      tpu.enqueue_dma source(%dma_start3A_150 : memref<128xf32, #tpu.memory_space<hbm>>) target(%arg9 : memref<128xf32, #tpu.memory_space<vmem>>) target_semaphore(%run_scoped3A : memref<!tpu.dma_semaphore, #tpu.memory_space<semaphore_mem>>)
      %dma_wait3A = tpu.memref_slice %arg3[%add3A_57] : memref<12288xf32, #tpu.memory_space<hbm>> -> memref<128xf32, #tpu.memory_space<hbm>>
      %dma_wait3A_151 = tpu.memref_slice %arg3[%add3A_57] : memref<12288xf32, #tpu.memory_space<hbm>> -> memref<128xf32, #tpu.memory_space<hbm>>
      tpu.wait_dma2 semaphore(%run_scoped3A : memref<!tpu.dma_semaphore, #tpu.memory_space<semaphore_mem>>) src(%dma_wait3A_151 : memref<128xf32, #tpu.memory_space<hbm>>) dst(%arg9 : memref<128xf32, #tpu.memory_space<vmem>>)
      tpu.yield
    }) : () -> ()
    %mul3A_58 = arith.constant 3 : i32
    %mul3A_59 = arith.muli %select_n3A, %mul3A_58 : i32
    %add3A_60 = arith.constant 1 : i32
    %add3A_61 = arith.addi %mul3A_59, %add3A_60 : i32
    %mul3A_62 = arith.constant 1024 : i32
    %mul3A_63 = arith.muli %add3A_61, %mul3A_62 : i32
    %add3A_64 = arith.addi %mul3A_63, %mul3A_50 : i32
    "tpu.region"() ({
      %run_scoped3A = tpu.sem_alloc : memref<!tpu.dma_semaphore, #tpu.memory_space<semaphore_mem>>
      %dma_start3A = tpu.memref_slice %arg3[%add3A_64] : memref<12288xf32, #tpu.memory_space<hbm>> -> memref<128xf32, #tpu.memory_space<hbm>>
      %dma_start3A_150 = tpu.memref_slice %arg3[%add3A_64] : memref<12288xf32, #tpu.memory_space<hbm>> -> memref<128xf32, #tpu.memory_space<hbm>>
      tpu.enqueue_dma source(%dma_start3A_150 : memref<128xf32, #tpu.memory_space<hbm>>) target(%arg10 : memref<128xf32, #tpu.memory_space<vmem>>) target_semaphore(%run_scoped3A : memref<!tpu.dma_semaphore, #tpu.memory_space<semaphore_mem>>)
      %dma_wait3A = tpu.memref_slice %arg3[%add3A_64] : memref<12288xf32, #tpu.memory_space<hbm>> -> memref<128xf32, #tpu.memory_space<hbm>>
      %dma_wait3A_151 = tpu.memref_slice %arg3[%add3A_64] : memref<12288xf32, #tpu.memory_space<hbm>> -> memref<128xf32, #tpu.memory_space<hbm>>
      tpu.wait_dma2 semaphore(%run_scoped3A : memref<!tpu.dma_semaphore, #tpu.memory_space<semaphore_mem>>) src(%dma_wait3A_151 : memref<128xf32, #tpu.memory_space<hbm>>) dst(%arg10 : memref<128xf32, #tpu.memory_space<vmem>>)
      tpu.yield
    }) : () -> ()
    %mul3A_65 = arith.constant 3 : i32
    %mul3A_66 = arith.muli %select_n3A, %mul3A_65 : i32
    %add3A_67 = arith.constant 2 : i32
    %add3A_68 = arith.addi %mul3A_66, %add3A_67 : i32
    %mul3A_69 = arith.constant 1024 : i32
    %mul3A_70 = arith.muli %add3A_68, %mul3A_69 : i32
    %add3A_71 = arith.addi %mul3A_70, %mul3A_50 : i32
    "tpu.region"() ({
      %run_scoped3A = tpu.sem_alloc : memref<!tpu.dma_semaphore, #tpu.memory_space<semaphore_mem>>
      %dma_start3A = tpu.memref_slice %arg3[%add3A_71] : memref<12288xf32, #tpu.memory_space<hbm>> -> memref<128xf32, #tpu.memory_space<hbm>>
      %dma_start3A_150 = tpu.memref_slice %arg3[%add3A_71] : memref<12288xf32, #tpu.memory_space<hbm>> -> memref<128xf32, #tpu.memory_space<hbm>>
      tpu.enqueue_dma source(%dma_start3A_150 : memref<128xf32, #tpu.memory_space<hbm>>) target(%arg11 : memref<128xf32, #tpu.memory_space<vmem>>) target_semaphore(%run_scoped3A : memref<!tpu.dma_semaphore, #tpu.memory_space<semaphore_mem>>)
      %dma_wait3A = tpu.memref_slice %arg3[%add3A_71] : memref<12288xf32, #tpu.memory_space<hbm>> -> memref<128xf32, #tpu.memory_space<hbm>>
      %dma_wait3A_151 = tpu.memref_slice %arg3[%add3A_71] : memref<12288xf32, #tpu.memory_space<hbm>> -> memref<128xf32, #tpu.memory_space<hbm>>
      tpu.wait_dma2 semaphore(%run_scoped3A : memref<!tpu.dma_semaphore, #tpu.memory_space<semaphore_mem>>) src(%dma_wait3A_151 : memref<128xf32, #tpu.memory_space<hbm>>) dst(%arg11 : memref<128xf32, #tpu.memory_space<vmem>>)
      tpu.yield
    }) : () -> ()
    %iota3A = tpu.iota {dimensions = array<i32: 0>} : vector<16xi32>
    %broadcast_in_dim3A = arith.constant 0 : i32
    %broadcast_in_dim3A_72 = vector.broadcast %broadcast_in_dim3A : i32 to vector<16xi32>
    %scan3A = arith.constant 0 : i32
    %scan3A_73 = arith.constant 0 : i32
    %scan3A_74 = arith.constant 32 : i32
    %scan3A_75 = arith.addi %scan3A_73, %scan3A_74 : i32
    %scan3A_76 = arith.constant 1 : i32
    scf.for %scan3A_150 = %scan3A_73 to %scan3A_75 step %scan3A_76  : i32 {
      %mul3A_151 = arith.constant 4 : i32
      %mul3A_152 = arith.muli %scan3A_150, %mul3A_151 : i32
      %add3A_153 = arith.constant 0 : i32
      %add3A_154 = arith.addi %mul3A_152, %add3A_153 : i32
      %add3A_155 = vector.broadcast %add3A_154 : i32 to vector<16xi32>
      %add3A_156 = arith.addi %broadcast_in_dim3A_72, %add3A_155 : vector<16xi32>
      %gather3A = tpu.vector_load_idx %arg9[%add3A_156] : memref<128xf32, #tpu.memory_space<vmem>>[vector<16xi32>], vector<16xf32>,
      %gather3A_157 = tpu.vector_load_idx %arg10[%add3A_156] : memref<128xf32, #tpu.memory_space<vmem>>[vector<16xi32>], vector<16xf32>,
      %gather3A_158 = tpu.vector_load_idx %arg11[%add3A_156] : memref<128xf32, #tpu.memory_space<vmem>>[vector<16xi32>], vector<16xf32>,
      %swap3A = arith.constant 0 : index
      %swap3A_159 = tpu.vector_load %arg14[%swap3A] {strides = array<i32>} : memref<48xi32, #tpu.memory_space<vmem>>, vector<16xi32>,
      tpu.vector_store %arg14[%swap3A], %broadcast_in_dim3A_72 {strides = array<i32>} : memref<48xi32, #tpu.memory_space<vmem>>, vector<16xi32>,
      %add3A_160 = arith.constant 1 : i32
      %add3A_161 = arith.addi %mul3A_152, %add3A_160 : i32
      %add3A_162 = vector.broadcast %add3A_161 : i32 to vector<16xi32>
      %add3A_163 = arith.addi %broadcast_in_dim3A_72, %add3A_162 : vector<16xi32>
      %gather3A_164 = tpu.vector_load_idx %arg9[%add3A_163] : memref<128xf32, #tpu.memory_space<vmem>>[vector<16xi32>], vector<16xf32>,
      %gather3A_165 = tpu.vector_load_idx %arg10[%add3A_163] : memref<128xf32, #tpu.memory_space<vmem>>[vector<16xi32>], vector<16xf32>,
      %gather3A_166 = tpu.vector_load_idx %arg11[%add3A_163] : memref<128xf32, #tpu.memory_space<vmem>>[vector<16xi32>], vector<16xf32>,
      %swap3A_167 = arith.constant 0 : index
      %swap3A_168 = tpu.vector_load %arg15[%swap3A_167] {strides = array<i32>} : memref<48xi32, #tpu.memory_space<vmem>>, vector<16xi32>,
      tpu.vector_store %arg15[%swap3A_167], %broadcast_in_dim3A_72 {strides = array<i32>} : memref<48xi32, #tpu.memory_space<vmem>>, vector<16xi32>,
      %add3A_169 = arith.constant 2 : i32
      %add3A_170 = arith.addi %mul3A_152, %add3A_169 : i32
      %add3A_171 = vector.broadcast %add3A_170 : i32 to vector<16xi32>
      %add3A_172 = arith.addi %broadcast_in_dim3A_72, %add3A_171 : vector<16xi32>
      %gather3A_173 = tpu.vector_load_idx %arg9[%add3A_172] : memref<128xf32, #tpu.memory_space<vmem>>[vector<16xi32>], vector<16xf32>,
      %gather3A_174 = tpu.vector_load_idx %arg10[%add3A_172] : memref<128xf32, #tpu.memory_space<vmem>>[vector<16xi32>], vector<16xf32>,
      %gather3A_175 = tpu.vector_load_idx %arg11[%add3A_172] : memref<128xf32, #tpu.memory_space<vmem>>[vector<16xi32>], vector<16xf32>,
      %swap3A_176 = arith.constant 0 : index
      %swap3A_177 = tpu.vector_load %arg16[%swap3A_176] {strides = array<i32>} : memref<48xi32, #tpu.memory_space<vmem>>, vector<16xi32>,
      tpu.vector_store %arg16[%swap3A_176], %broadcast_in_dim3A_72 {strides = array<i32>} : memref<48xi32, #tpu.memory_space<vmem>>, vector<16xi32>,
      %add3A_178 = arith.constant 3 : i32
      %add3A_179 = arith.addi %mul3A_152, %add3A_178 : i32
      %add3A_180 = vector.broadcast %add3A_179 : i32 to vector<16xi32>
      %add3A_181 = arith.addi %broadcast_in_dim3A_72, %add3A_180 : vector<16xi32>
      %gather3A_182 = tpu.vector_load_idx %arg9[%add3A_181] : memref<128xf32, #tpu.memory_space<vmem>>[vector<16xi32>], vector<16xf32>,
      %gather3A_183 = tpu.vector_load_idx %arg10[%add3A_181] : memref<128xf32, #tpu.memory_space<vmem>>[vector<16xi32>], vector<16xf32>,
      %gather3A_184 = tpu.vector_load_idx %arg11[%add3A_181] : memref<128xf32, #tpu.memory_space<vmem>>[vector<16xi32>], vector<16xf32>,
      %swap3A_185 = arith.constant 0 : index
      %swap3A_186 = tpu.vector_load %arg17[%swap3A_185] {strides = array<i32>} : memref<48xi32, #tpu.memory_space<vmem>>, vector<16xi32>,
      tpu.vector_store %arg17[%swap3A_185], %broadcast_in_dim3A_72 {strides = array<i32>} : memref<48xi32, #tpu.memory_space<vmem>>, vector<16xi32>,
      %sub3A_187 = arith.constant 1 : i32
      %sub3A_188 = vector.broadcast %sub3A_187 : i32 to vector<16xi32>
      %sub3A_189 = arith.subi %broadcast_in_dim3A_72, %sub3A_188 : vector<16xi32>
      %sub3A_190 = arith.constant 1 : i32
      %sub3A_191 = vector.broadcast %sub3A_190 : i32 to vector<16xi32>
      %sub3A_192 = arith.subi %broadcast_in_dim3A_72, %sub3A_191 : vector<16xi32>
      %sub3A_193 = arith.constant 1 : i32
      %sub3A_194 = vector.broadcast %sub3A_193 : i32 to vector<16xi32>
      %sub3A_195 = arith.subi %broadcast_in_dim3A_72, %sub3A_194 : vector<16xi32>
      %sub3A_196 = arith.constant 1 : i32
      %sub3A_197 = vector.broadcast %sub3A_196 : i32 to vector<16xi32>
      %sub3A_198 = arith.subi %broadcast_in_dim3A_72, %sub3A_197 : vector<16xi32>
      %while3A = arith.constant 0 : i32
      %while3A_199:5 = scf.while (%while3A_530 = %while3A, %while3A_531 = %sub3A_189, %while3A_532 = %sub3A_192, %while3A_533 = %sub3A_195, %while3A_534 = %sub3A_198) : (i32, vector<16xi32>, vector<16xi32>, vector<16xi32>, vector<16xi32>) -> (i32, vector<16xi32>, vector<16xi32>, vector<16xi32>, vector<16xi32>) {
        %min3A = arith.minsi %while3A_531, %while3A_532 : vector<16xi32>
        %min3A_535 = arith.minsi %while3A_533, %while3A_534 : vector<16xi32>
        %min3A_536 = arith.minsi %min3A, %min3A_535 : vector<16xi32>
        %lt3A_537 = arith.constant 16 : i32
        %lt3A_538 = arith.cmpi slt, %while3A_530, %lt3A_537 : i32
        %reduce_min3A_539 = arith.constant true
        %reduce_min3A_540 = vector.broadcast %reduce_min3A_539 : i1 to vector<16xi1>
        %reduce_min3A_541 = arith.constant -2147483648 : i32
        %reduce_min3A_542 = vector.broadcast %reduce_min3A_541 : i32 to vector<16xi32>
        %reduce_min3A_543 = arith.xori %min3A_536, %reduce_min3A_542 : vector<16xi32>
        %reduce_min3A_544 = tpu.scan <min>, %reduce_min3A_543 masked %reduce_min3A_540 : vector<16xi32>, vector<16xi1> -> vector<16xi32>
        %reduce_min3A_545 = arith.xori %reduce_min3A_544, %reduce_min3A_542 : vector<16xi32>
        %reduce_min3A_546 = vector.extract %reduce_min3A_545[15] : i32 from vector<16xi32>
        %lt3A_547 = arith.constant 31 : i32
        %lt3A_548 = arith.cmpi slt, %reduce_min3A_546, %lt3A_547 : i32
        %and3A_549 = arith.andi %lt3A_538, %lt3A_548 : i1
        scf.condition(%and3A_549) %while3A_530, %while3A_531, %while3A_532, %while3A_533, %while3A_534 : i32, vector<16xi32>, vector<16xi32>, vector<16xi32>, vector<16xi32>
      } do {
      ^bb0(%while3A_530: i32, %while3A_531: vector<16xi32>, %while3A_532: vector<16xi32>, %while3A_533: vector<16xi32>, %while3A_534: vector<16xi32>):
        %mul3A_535 = arith.constant 64 : i32
        %mul3A_536 = arith.muli %while3A_530, %mul3A_535 : i32
        %add3A_537 = arith.constant 1 : i32
        %add3A_538 = arith.addi %while3A_530, %add3A_537 : i32
        %mul3A_539 = arith.constant 64 : i32
        %mul3A_540 = arith.muli %add3A_538, %mul3A_539 : i32
        %parallel_loop3A = arith.constant 1 : i32
        %parallel_loop3A_541:4 = scf.for %parallel_loop3A_544 = %mul3A_536 to %mul3A_540 step %parallel_loop3A iter_args(%parallel_loop3A_545 = %while3A_531, %parallel_loop3A_546 = %while3A_532, %parallel_loop3A_547 = %while3A_533, %parallel_loop3A_548 = %while3A_534) -> (vector<16xi32>, vector<16xi32>, vector<16xi32>, vector<16xi32>)  : i32 {
          %parallel_loop3A_549 = arith.constant 16 : i32
          %parallel_loop3A_550 = arith.muli %parallel_loop3A_544, %parallel_loop3A_549 : i32
          %parallel_loop3A_551 = arith.index_cast %parallel_loop3A_550 : i32 to index
          %parallel_loop3A_552 = tpu.vector_load %arg6[%parallel_loop3A_551] {strides = array<i32>} : memref<16384xf32, #tpu.memory_space<vmem>>, vector<16xf32>,
          %parallel_loop3A_553 = arith.index_cast %parallel_loop3A_550 : i32 to index
          %parallel_loop3A_554 = tpu.vector_load %arg7[%parallel_loop3A_553] {strides = array<i32>} : memref<16384xf32, #tpu.memory_space<vmem>>, vector<16xf32>,
          %parallel_loop3A_555 = arith.index_cast %parallel_loop3A_550 : i32 to index
          %parallel_loop3A_556 = tpu.vector_load %arg8[%parallel_loop3A_555] {strides = array<i32>} : memref<16384xf32, #tpu.memory_space<vmem>>, vector<16xf32>,
          %parallel_loop3A_557 = vector.broadcast %parallel_loop3A_550 : i32 to vector<16xi32>
          %parallel_loop3A_558 = arith.addi %iota3A, %parallel_loop3A_557 : vector<16xi32>
          %parallel_loop3A_559 = arith.subf %gather3A, %parallel_loop3A_552 : vector<16xf32>
          %parallel_loop3A_560 = arith.subf %gather3A_157, %parallel_loop3A_554 : vector<16xf32>
          %parallel_loop3A_561 = arith.subf %gather3A_158, %parallel_loop3A_556 : vector<16xf32>
          %parallel_loop3A_562 = arith.mulf %parallel_loop3A_559, %parallel_loop3A_559 : vector<16xf32>
          %parallel_loop3A_563 = arith.mulf %parallel_loop3A_560, %parallel_loop3A_560 : vector<16xf32>
          %parallel_loop3A_564 = arith.addf %parallel_loop3A_562, %parallel_loop3A_563 : vector<16xf32>
          %parallel_loop3A_565 = arith.mulf %parallel_loop3A_561, %parallel_loop3A_561 : vector<16xf32>
          %parallel_loop3A_566 = arith.addf %parallel_loop3A_564, %parallel_loop3A_565 : vector<16xf32>
          %parallel_loop3A_567 = arith.constant 0.00999999977 : f32
          %parallel_loop3A_568 = vector.broadcast %parallel_loop3A_567 : f32 to vector<16xf32>
          %parallel_loop3A_569 = arith.cmpf olt, %parallel_loop3A_566, %parallel_loop3A_568 : vector<16xf32>
          %parallel_loop3A_570 = arith.extui %parallel_loop3A_569 : vector<16xi1> to vector<16xi32>
          %parallel_loop3A_571 = arith.constant true
          %parallel_loop3A_572 = vector.broadcast %parallel_loop3A_571 : i1 to vector<16xi1>
          %parallel_loop3A_573 = tpu.scan <sum>, %parallel_loop3A_570 masked %parallel_loop3A_572 : vector<16xi32>, vector<16xi1> -> vector<16xi32>
          %parallel_loop3A_574 = arith.addi %parallel_loop3A_545, %parallel_loop3A_573 : vector<16xi32>
          %parallel_loop3A_575 = arith.constant 47 : i32
          %parallel_loop3A_576 = vector.broadcast %parallel_loop3A_575 : i32 to vector<16xi32>
          %parallel_loop3A_577 = arith.minsi %parallel_loop3A_574, %parallel_loop3A_576 : vector<16xi32>
          tpu.vector_store_idx %arg14[%parallel_loop3A_577], %parallel_loop3A_558 masked %parallel_loop3A_569 : memref<48xi32, #tpu.memory_space<vmem>>[vector<16xi32>], vector<16xi32>, vector<16xi1>
          %parallel_loop3A_578 = tpu.all_reduce %parallel_loop3A_569 {dim = 0 : i64, kind = #tpu.reduction_kind<sum>} : vector<16xi1> -> vector<16xi32>
          %parallel_loop3A_579 = arith.addi %parallel_loop3A_545, %parallel_loop3A_578 : vector<16xi32>
          %parallel_loop3A_580 = arith.subf %gather3A_164, %parallel_loop3A_552 : vector<16xf32>
          %parallel_loop3A_581 = arith.subf %gather3A_165, %parallel_loop3A_554 : vector<16xf32>
          %parallel_loop3A_582 = arith.subf %gather3A_166, %parallel_loop3A_556 : vector<16xf32>
          %parallel_loop3A_583 = arith.mulf %parallel_loop3A_580, %parallel_loop3A_580 : vector<16xf32>
          %parallel_loop3A_584 = arith.mulf %parallel_loop3A_581, %parallel_loop3A_581 : vector<16xf32>
          %parallel_loop3A_585 = arith.addf %parallel_loop3A_583, %parallel_loop3A_584 : vector<16xf32>
          %parallel_loop3A_586 = arith.mulf %parallel_loop3A_582, %parallel_loop3A_582 : vector<16xf32>
          %parallel_loop3A_587 = arith.addf %parallel_loop3A_585, %parallel_loop3A_586 : vector<16xf32>
          %parallel_loop3A_588 = arith.constant 0.00999999977 : f32
          %parallel_loop3A_589 = vector.broadcast %parallel_loop3A_588 : f32 to vector<16xf32>
          %parallel_loop3A_590 = arith.cmpf olt, %parallel_loop3A_587, %parallel_loop3A_589 : vector<16xf32>
          %parallel_loop3A_591 = arith.extui %parallel_loop3A_590 : vector<16xi1> to vector<16xi32>
          %parallel_loop3A_592 = arith.constant true
          %parallel_loop3A_593 = vector.broadcast %parallel_loop3A_592 : i1 to vector<16xi1>
          %parallel_loop3A_594 = tpu.scan <sum>, %parallel_loop3A_591 masked %parallel_loop3A_593 : vector<16xi32>, vector<16xi1> -> vector<16xi32>
          %parallel_loop3A_595 = arith.addi %parallel_loop3A_546, %parallel_loop3A_594 : vector<16xi32>
          %parallel_loop3A_596 = arith.constant 47 : i32
          %parallel_loop3A_597 = vector.broadcast %parallel_loop3A_596 : i32 to vector<16xi32>
          %parallel_loop3A_598 = arith.minsi %parallel_loop3A_595, %parallel_loop3A_597 : vector<16xi32>
          tpu.vector_store_idx %arg15[%parallel_loop3A_598], %parallel_loop3A_558 masked %parallel_loop3A_590 : memref<48xi32, #tpu.memory_space<vmem>>[vector<16xi32>], vector<16xi32>, vector<16xi1>
          %parallel_loop3A_599 = tpu.all_reduce %parallel_loop3A_590 {dim = 0 : i64, kind = #tpu.reduction_kind<sum>} : vector<16xi1> -> vector<16xi32>
          %parallel_loop3A_600 = arith.addi %parallel_loop3A_546, %parallel_loop3A_599 : vector<16xi32>
          %parallel_loop3A_601 = arith.subf %gather3A_173, %parallel_loop3A_552 : vector<16xf32>
          %parallel_loop3A_602 = arith.subf %gather3A_174, %parallel_loop3A_554 : vector<16xf32>
          %parallel_loop3A_603 = arith.subf %gather3A_175, %parallel_loop3A_556 : vector<16xf32>
          %parallel_loop3A_604 = arith.mulf %parallel_loop3A_601, %parallel_loop3A_601 : vector<16xf32>
          %parallel_loop3A_605 = arith.mulf %parallel_loop3A_602, %parallel_loop3A_602 : vector<16xf32>
          %parallel_loop3A_606 = arith.addf %parallel_loop3A_604, %parallel_loop3A_605 : vector<16xf32>
          %parallel_loop3A_607 = arith.mulf %parallel_loop3A_603, %parallel_loop3A_603 : vector<16xf32>
          %parallel_loop3A_608 = arith.addf %parallel_loop3A_606, %parallel_loop3A_607 : vector<16xf32>
          %parallel_loop3A_609 = arith.constant 0.00999999977 : f32
          %parallel_loop3A_610 = vector.broadcast %parallel_loop3A_609 : f32 to vector<16xf32>
          %parallel_loop3A_611 = arith.cmpf olt, %parallel_loop3A_608, %parallel_loop3A_610 : vector<16xf32>
          %parallel_loop3A_612 = arith.extui %parallel_loop3A_611 : vector<16xi1> to vector<16xi32>
          %parallel_loop3A_613 = arith.constant true
          %parallel_loop3A_614 = vector.broadcast %parallel_loop3A_613 : i1 to vector<16xi1>
          %parallel_loop3A_615 = tpu.scan <sum>, %parallel_loop3A_612 masked %parallel_loop3A_614 : vector<16xi32>, vector<16xi1> -> vector<16xi32>
          %parallel_loop3A_616 = arith.addi %parallel_loop3A_547, %parallel_loop3A_615 : vector<16xi32>
          %parallel_loop3A_617 = arith.constant 47 : i32
          %parallel_loop3A_618 = vector.broadcast %parallel_loop3A_617 : i32 to vector<16xi32>
          %parallel_loop3A_619 = arith.minsi %parallel_loop3A_616, %parallel_loop3A_618 : vector<16xi32>
          tpu.vector_store_idx %arg16[%parallel_loop3A_619], %parallel_loop3A_558 masked %parallel_loop3A_611 : memref<48xi32, #tpu.memory_space<vmem>>[vector<16xi32>], vector<16xi32>, vector<16xi1>
          %parallel_loop3A_620 = tpu.all_reduce %parallel_loop3A_611 {dim = 0 : i64, kind = #tpu.reduction_kind<sum>} : vector<16xi1> -> vector<16xi32>
          %parallel_loop3A_621 = arith.addi %parallel_loop3A_547, %parallel_loop3A_620 : vector<16xi32>
          %parallel_loop3A_622 = arith.subf %gather3A_182, %parallel_loop3A_552 : vector<16xf32>
          %parallel_loop3A_623 = arith.subf %gather3A_183, %parallel_loop3A_554 : vector<16xf32>
          %parallel_loop3A_624 = arith.subf %gather3A_184, %parallel_loop3A_556 : vector<16xf32>
          %parallel_loop3A_625 = arith.mulf %parallel_loop3A_622, %parallel_loop3A_622 : vector<16xf32>
          %parallel_loop3A_626 = arith.mulf %parallel_loop3A_623, %parallel_loop3A_623 : vector<16xf32>
          %parallel_loop3A_627 = arith.addf %parallel_loop3A_625, %parallel_loop3A_626 : vector<16xf32>
          %parallel_loop3A_628 = arith.mulf %parallel_loop3A_624, %parallel_loop3A_624 : vector<16xf32>
          %parallel_loop3A_629 = arith.addf %parallel_loop3A_627, %parallel_loop3A_628 : vector<16xf32>
          %parallel_loop3A_630 = arith.constant 0.00999999977 : f32
          %parallel_loop3A_631 = vector.broadcast %parallel_loop3A_630 : f32 to vector<16xf32>
          %parallel_loop3A_632 = arith.cmpf olt, %parallel_loop3A_629, %parallel_loop3A_631 : vector<16xf32>
          %parallel_loop3A_633 = arith.extui %parallel_loop3A_632 : vector<16xi1> to vector<16xi32>
          %parallel_loop3A_634 = arith.constant true
          %parallel_loop3A_635 = vector.broadcast %parallel_loop3A_634 : i1 to vector<16xi1>
          %parallel_loop3A_636 = tpu.scan <sum>, %parallel_loop3A_633 masked %parallel_loop3A_635 : vector<16xi32>, vector<16xi1> -> vector<16xi32>
          %parallel_loop3A_637 = arith.addi %parallel_loop3A_548, %parallel_loop3A_636 : vector<16xi32>
          %parallel_loop3A_638 = arith.constant 47 : i32
          %parallel_loop3A_639 = vector.broadcast %parallel_loop3A_638 : i32 to vector<16xi32>
          %parallel_loop3A_640 = arith.minsi %parallel_loop3A_637, %parallel_loop3A_639 : vector<16xi32>
          tpu.vector_store_idx %arg17[%parallel_loop3A_640], %parallel_loop3A_558 masked %parallel_loop3A_632 : memref<48xi32, #tpu.memory_space<vmem>>[vector<16xi32>], vector<16xi32>, vector<16xi1>
          %parallel_loop3A_641 = tpu.all_reduce %parallel_loop3A_632 {dim = 0 : i64, kind = #tpu.reduction_kind<sum>} : vector<16xi1> -> vector<16xi32>
          %parallel_loop3A_642 = arith.addi %parallel_loop3A_548, %parallel_loop3A_641 : vector<16xi32>
          scf.yield %parallel_loop3A_579, %parallel_loop3A_600, %parallel_loop3A_621, %parallel_loop3A_642 : vector<16xi32>, vector<16xi32>, vector<16xi32>, vector<16xi32>
        } {sc.loop_unroll_factor = 4 : i64, sc.parallel_access}
        %add3A_542 = arith.constant 1 : i32
        %add3A_543 = arith.addi %while3A_530, %add3A_542 : i32
        scf.yield %add3A_543, %parallel_loop3A_541#0, %parallel_loop3A_541#1, %parallel_loop3A_541#2, %parallel_loop3A_541#3 : i32, vector<16xi32>, vector<16xi32>, vector<16xi32>, vector<16xi32>
      }
      %add3A_200 = arith.constant 1 : i32
      %add3A_201 = vector.broadcast %add3A_200 : i32 to vector<16xi32>
      %add3A_202 = arith.addi %while3A_199#1, %add3A_201 : vector<16xi32>
      %get3A = arith.constant 0 : index
      %get3A_203 = tpu.vector_load %arg14[%get3A] {strides = array<i32>} : memref<48xi32, #tpu.memory_space<vmem>>, vector<16xi32>,
      %eq3A_204 = arith.constant 0 : i32
      %eq3A_205 = vector.broadcast %eq3A_204 : i32 to vector<16xi32>
      %eq3A_206 = arith.cmpi eq, %iota3A, %eq3A_205 : vector<16xi32>
      %jit3A_207 = arith.constant 1073741824 : i32
      %broadcast_in_dim3A_208 = vector.broadcast %jit3A_207 : i32 to vector<16xi32>
      %select_n3A_209 = arith.select %eq3A_206, %get3A_203, %broadcast_in_dim3A_208 : vector<16xi1>, vector<16xi32>
      %reduce_min3A = arith.constant true
      %reduce_min3A_210 = vector.broadcast %reduce_min3A : i1 to vector<16xi1>
      %reduce_min3A_211 = arith.constant -2147483648 : i32
      %reduce_min3A_212 = vector.broadcast %reduce_min3A_211 : i32 to vector<16xi32>
      %reduce_min3A_213 = arith.xori %select_n3A_209, %reduce_min3A_212 : vector<16xi32>
      %reduce_min3A_214 = tpu.scan <min>, %reduce_min3A_213 masked %reduce_min3A_210 : vector<16xi32>, vector<16xi1> -> vector<16xi32>
      %reduce_min3A_215 = arith.xori %reduce_min3A_214, %reduce_min3A_212 : vector<16xi32>
      %reduce_min3A_216 = vector.extract %reduce_min3A_215[15] : i32 from vector<16xi32>
      %add3A_217 = vector.broadcast %reduce_min3A_216 : i32 to vector<16xi32>
      %add3A_218 = arith.addi %broadcast_in_dim3A_72, %add3A_217 : vector<16xi32>
      %add3A_219 = arith.constant 0 : i32
      %add3A_220 = vector.broadcast %add3A_219 : i32 to vector<16xi32>
      %add3A_221 = arith.addi %iota3A, %add3A_220 : vector<16xi32>
      %get3A_222 = arith.constant 0 : index
      %get3A_223 = tpu.vector_load %arg14[%get3A_222] {strides = array<i32>} : memref<48xi32, #tpu.memory_space<vmem>>, vector<16xi32>,
      %lt3A_224 = arith.cmpi slt, %add3A_221, %add3A_202 : vector<16xi32>
      %select_n3A_225 = arith.select %lt3A_224, %get3A_223, %add3A_218 : vector<16xi1>, vector<16xi32>
      %add3A_226 = arith.constant 0 : i32
      %add3A_227 = arith.addi %mul3A_152, %add3A_226 : i32
      %mul3A_228 = arith.constant 32 : i32
      %mul3A_229 = arith.muli %add3A_227, %mul3A_228 : i32
      %add3A_230 = arith.constant 0 : i32
      %add3A_231 = arith.addi %mul3A_229, %add3A_230 : i32
      %swap3A_232 = arith.index_cast %add3A_231 : i32 to index
      %swap3A_233 = tpu.vector_load %arg12[%swap3A_232] {strides = array<i32>} : memref<4096xi32, #tpu.memory_space<vmem>>, vector<16xi32>,
      tpu.vector_store %arg12[%swap3A_232], %select_n3A_225 {strides = array<i32>} : memref<4096xi32, #tpu.memory_space<vmem>>, vector<16xi32>,
      %gather3A_234 = tpu.vector_load_idx %arg6[%select_n3A_225] : memref<16384xf32, #tpu.memory_space<vmem>>[vector<16xi32>], vector<16xf32>,
      %sub3A_235 = arith.subf %gather3A_234, %gather3A : vector<16xf32>
      %swap3A_236 = arith.index_cast %add3A_231 : i32 to index
      %swap3A_237 = tpu.vector_load %arg13[%swap3A_236] {strides = array<i32>} : memref<12288xf32, #tpu.memory_space<vmem>>, vector<16xf32>,
      tpu.vector_store %arg13[%swap3A_236], %sub3A_235 {strides = array<i32>} : memref<12288xf32, #tpu.memory_space<vmem>>, vector<16xf32>,
      %gather3A_238 = tpu.vector_load_idx %arg7[%select_n3A_225] : memref<16384xf32, #tpu.memory_space<vmem>>[vector<16xi32>], vector<16xf32>,
      %sub3A_239 = arith.subf %gather3A_238, %gather3A_157 : vector<16xf32>
      %add3A_240 = arith.constant 4096 : i32
      %add3A_241 = arith.addi %add3A_240, %add3A_231 : i32
      %swap3A_242 = arith.index_cast %add3A_241 : i32 to index
      %swap3A_243 = tpu.vector_load %arg13[%swap3A_242] {strides = array<i32>} : memref<12288xf32, #tpu.memory_space<vmem>>, vector<16xf32>,
      tpu.vector_store %arg13[%swap3A_242], %sub3A_239 {strides = array<i32>} : memref<12288xf32, #tpu.memory_space<vmem>>, vector<16xf32>,
      %gather3A_244 = tpu.vector_load_idx %arg8[%select_n3A_225] : memref<16384xf32, #tpu.memory_space<vmem>>[vector<16xi32>], vector<16xf32>,
      %sub3A_245 = arith.subf %gather3A_244, %gather3A_158 : vector<16xf32>
      %add3A_246 = arith.constant 8192 : i32
      %add3A_247 = arith.addi %add3A_246, %add3A_231 : i32
      %swap3A_248 = arith.index_cast %add3A_247 : i32 to index
      %swap3A_249 = tpu.vector_load %arg13[%swap3A_248] {strides = array<i32>} : memref<12288xf32, #tpu.memory_space<vmem>>, vector<16xf32>,
      tpu.vector_store %arg13[%swap3A_248], %sub3A_245 {strides = array<i32>} : memref<12288xf32, #tpu.memory_space<vmem>>, vector<16xf32>,
      %add3A_250 = arith.constant 16 : i32
      %add3A_251 = vector.broadcast %add3A_250 : i32 to vector<16xi32>
      %add3A_252 = arith.addi %iota3A, %add3A_251 : vector<16xi32>
      %get3A_253 = arith.constant 16 : index
      %get3A_254 = tpu.vector_load %arg14[%get3A_253] {strides = array<i32>} : memref<48xi32, #tpu.memory_space<vmem>>, vector<16xi32>,
      %lt3A_255 = arith.cmpi slt, %add3A_252, %add3A_202 : vector<16xi32>
      %select_n3A_256 = arith.select %lt3A_255, %get3A_254, %add3A_218 : vector<16xi1>, vector<16xi32>
      %add3A_257 = arith.constant 0 : i32
      %add3A_258 = arith.addi %mul3A_152, %add3A_257 : i32
      %mul3A_259 = arith.constant 32 : i32
      %mul3A_260 = arith.muli %add3A_258, %mul3A_259 : i32
      %add3A_261 = arith.constant 16 : i32
      %add3A_262 = arith.addi %mul3A_260, %add3A_261 : i32
      %swap3A_263 = arith.index_cast %add3A_262 : i32 to index
      %swap3A_264 = tpu.vector_load %arg12[%swap3A_263] {strides = array<i32>} : memref<4096xi32, #tpu.memory_space<vmem>>, vector<16xi32>,
      tpu.vector_store %arg12[%swap3A_263], %select_n3A_256 {strides = array<i32>} : memref<4096xi32, #tpu.memory_space<vmem>>, vector<16xi32>,
      %gather3A_265 = tpu.vector_load_idx %arg6[%select_n3A_256] : memref<16384xf32, #tpu.memory_space<vmem>>[vector<16xi32>], vector<16xf32>,
      %sub3A_266 = arith.subf %gather3A_265, %gather3A : vector<16xf32>
      %swap3A_267 = arith.index_cast %add3A_262 : i32 to index
      %swap3A_268 = tpu.vector_load %arg13[%swap3A_267] {strides = array<i32>} : memref<12288xf32, #tpu.memory_space<vmem>>, vector<16xf32>,
      tpu.vector_store %arg13[%swap3A_267], %sub3A_266 {strides = array<i32>} : memref<12288xf32, #tpu.memory_space<vmem>>, vector<16xf32>,
      %gather3A_269 = tpu.vector_load_idx %arg7[%select_n3A_256] : memref<16384xf32, #tpu.memory_space<vmem>>[vector<16xi32>], vector<16xf32>,
      %sub3A_270 = arith.subf %gather3A_269, %gather3A_157 : vector<16xf32>
      %add3A_271 = arith.constant 4096 : i32
      %add3A_272 = arith.addi %add3A_271, %add3A_262 : i32
      %swap3A_273 = arith.index_cast %add3A_272 : i32 to index
      %swap3A_274 = tpu.vector_load %arg13[%swap3A_273] {strides = array<i32>} : memref<12288xf32, #tpu.memory_space<vmem>>, vector<16xf32>,
      tpu.vector_store %arg13[%swap3A_273], %sub3A_270 {strides = array<i32>} : memref<12288xf32, #tpu.memory_space<vmem>>, vector<16xf32>,
      %gather3A_275 = tpu.vector_load_idx %arg8[%select_n3A_256] : memref<16384xf32, #tpu.memory_space<vmem>>[vector<16xi32>], vector<16xf32>,
      %sub3A_276 = arith.subf %gather3A_275, %gather3A_158 : vector<16xf32>
      %add3A_277 = arith.constant 8192 : i32
      %add3A_278 = arith.addi %add3A_277, %add3A_262 : i32
      %swap3A_279 = arith.index_cast %add3A_278 : i32 to index
      %swap3A_280 = tpu.vector_load %arg13[%swap3A_279] {strides = array<i32>} : memref<12288xf32, #tpu.memory_space<vmem>>, vector<16xf32>,
      tpu.vector_store %arg13[%swap3A_279], %sub3A_276 {strides = array<i32>} : memref<12288xf32, #tpu.memory_space<vmem>>, vector<16xf32>,
      %add3A_281 = arith.constant 1 : i32
      %add3A_282 = vector.broadcast %add3A_281 : i32 to vector<16xi32>
      %add3A_283 = arith.addi %while3A_199#2, %add3A_282 : vector<16xi32>
      %get3A_284 = arith.constant 0 : index
      %get3A_285 = tpu.vector_load %arg15[%get3A_284] {strides = array<i32>} : memref<48xi32, #tpu.memory_space<vmem>>, vector<16xi32>,
      %eq3A_286 = arith.constant 0 : i32
      %eq3A_287 = vector.broadcast %eq3A_286 : i32 to vector<16xi32>
      %eq3A_288 = arith.cmpi eq, %iota3A, %eq3A_287 : vector<16xi32>
      %jit3A_289 = arith.constant 1073741824 : i32
      %broadcast_in_dim3A_290 = vector.broadcast %jit3A_289 : i32 to vector<16xi32>
      %select_n3A_291 = arith.select %eq3A_288, %get3A_285, %broadcast_in_dim3A_290 : vector<16xi1>, vector<16xi32>
      %reduce_min3A_292 = arith.constant true
      %reduce_min3A_293 = vector.broadcast %reduce_min3A_292 : i1 to vector<16xi1>
      %reduce_min3A_294 = arith.constant -2147483648 : i32
      %reduce_min3A_295 = vector.broadcast %reduce_min3A_294 : i32 to vector<16xi32>
      %reduce_min3A_296 = arith.xori %select_n3A_291, %reduce_min3A_295 : vector<16xi32>
      %reduce_min3A_297 = tpu.scan <min>, %reduce_min3A_296 masked %reduce_min3A_293 : vector<16xi32>, vector<16xi1> -> vector<16xi32>
      %reduce_min3A_298 = arith.xori %reduce_min3A_297, %reduce_min3A_295 : vector<16xi32>
      %reduce_min3A_299 = vector.extract %reduce_min3A_298[15] : i32 from vector<16xi32>
      %add3A_300 = vector.broadcast %reduce_min3A_299 : i32 to vector<16xi32>
      %add3A_301 = arith.addi %broadcast_in_dim3A_72, %add3A_300 : vector<16xi32>
      %add3A_302 = arith.constant 0 : i32
      %add3A_303 = vector.broadcast %add3A_302 : i32 to vector<16xi32>
      %add3A_304 = arith.addi %iota3A, %add3A_303 : vector<16xi32>
      %get3A_305 = arith.constant 0 : index
      %get3A_306 = tpu.vector_load %arg15[%get3A_305] {strides = array<i32>} : memref<48xi32, #tpu.memory_space<vmem>>, vector<16xi32>,
      %lt3A_307 = arith.cmpi slt, %add3A_304, %add3A_283 : vector<16xi32>
      %select_n3A_308 = arith.select %lt3A_307, %get3A_306, %add3A_301 : vector<16xi1>, vector<16xi32>
      %add3A_309 = arith.constant 1 : i32
      %add3A_310 = arith.addi %mul3A_152, %add3A_309 : i32
      %mul3A_311 = arith.constant 32 : i32
      %mul3A_312 = arith.muli %add3A_310, %mul3A_311 : i32
      %add3A_313 = arith.constant 0 : i32
      %add3A_314 = arith.addi %mul3A_312, %add3A_313 : i32
      %swap3A_315 = arith.index_cast %add3A_314 : i32 to index
      %swap3A_316 = tpu.vector_load %arg12[%swap3A_315] {strides = array<i32>} : memref<4096xi32, #tpu.memory_space<vmem>>, vector<16xi32>,
      tpu.vector_store %arg12[%swap3A_315], %select_n3A_308 {strides = array<i32>} : memref<4096xi32, #tpu.memory_space<vmem>>, vector<16xi32>,
      %gather3A_317 = tpu.vector_load_idx %arg6[%select_n3A_308] : memref<16384xf32, #tpu.memory_space<vmem>>[vector<16xi32>], vector<16xf32>,
      %sub3A_318 = arith.subf %gather3A_317, %gather3A_164 : vector<16xf32>
      %swap3A_319 = arith.index_cast %add3A_314 : i32 to index
      %swap3A_320 = tpu.vector_load %arg13[%swap3A_319] {strides = array<i32>} : memref<12288xf32, #tpu.memory_space<vmem>>, vector<16xf32>,
      tpu.vector_store %arg13[%swap3A_319], %sub3A_318 {strides = array<i32>} : memref<12288xf32, #tpu.memory_space<vmem>>, vector<16xf32>,
      %gather3A_321 = tpu.vector_load_idx %arg7[%select_n3A_308] : memref<16384xf32, #tpu.memory_space<vmem>>[vector<16xi32>], vector<16xf32>,
      %sub3A_322 = arith.subf %gather3A_321, %gather3A_165 : vector<16xf32>
      %add3A_323 = arith.constant 4096 : i32
      %add3A_324 = arith.addi %add3A_323, %add3A_314 : i32
      %swap3A_325 = arith.index_cast %add3A_324 : i32 to index
      %swap3A_326 = tpu.vector_load %arg13[%swap3A_325] {strides = array<i32>} : memref<12288xf32, #tpu.memory_space<vmem>>, vector<16xf32>,
      tpu.vector_store %arg13[%swap3A_325], %sub3A_322 {strides = array<i32>} : memref<12288xf32, #tpu.memory_space<vmem>>, vector<16xf32>,
      %gather3A_327 = tpu.vector_load_idx %arg8[%select_n3A_308] : memref<16384xf32, #tpu.memory_space<vmem>>[vector<16xi32>], vector<16xf32>,
      %sub3A_328 = arith.subf %gather3A_327, %gather3A_166 : vector<16xf32>
      %add3A_329 = arith.constant 8192 : i32
      %add3A_330 = arith.addi %add3A_329, %add3A_314 : i32
      %swap3A_331 = arith.index_cast %add3A_330 : i32 to index
      %swap3A_332 = tpu.vector_load %arg13[%swap3A_331] {strides = array<i32>} : memref<12288xf32, #tpu.memory_space<vmem>>, vector<16xf32>,
      tpu.vector_store %arg13[%swap3A_331], %sub3A_328 {strides = array<i32>} : memref<12288xf32, #tpu.memory_space<vmem>>, vector<16xf32>,
      %add3A_333 = arith.constant 16 : i32
      %add3A_334 = vector.broadcast %add3A_333 : i32 to vector<16xi32>
      %add3A_335 = arith.addi %iota3A, %add3A_334 : vector<16xi32>
      %get3A_336 = arith.constant 16 : index
      %get3A_337 = tpu.vector_load %arg15[%get3A_336] {strides = array<i32>} : memref<48xi32, #tpu.memory_space<vmem>>, vector<16xi32>,
      %lt3A_338 = arith.cmpi slt, %add3A_335, %add3A_283 : vector<16xi32>
      %select_n3A_339 = arith.select %lt3A_338, %get3A_337, %add3A_301 : vector<16xi1>, vector<16xi32>
      %add3A_340 = arith.constant 1 : i32
      %add3A_341 = arith.addi %mul3A_152, %add3A_340 : i32
      %mul3A_342 = arith.constant 32 : i32
      %mul3A_343 = arith.muli %add3A_341, %mul3A_342 : i32
      %add3A_344 = arith.constant 16 : i32
      %add3A_345 = arith.addi %mul3A_343, %add3A_344 : i32
      %swap3A_346 = arith.index_cast %add3A_345 : i32 to index
      %swap3A_347 = tpu.vector_load %arg12[%swap3A_346] {strides = array<i32>} : memref<4096xi32, #tpu.memory_space<vmem>>, vector<16xi32>,
      tpu.vector_store %arg12[%swap3A_346], %select_n3A_339 {strides = array<i32>} : memref<4096xi32, #tpu.memory_space<vmem>>, vector<16xi32>,
      %gather3A_348 = tpu.vector_load_idx %arg6[%select_n3A_339] : memref<16384xf32, #tpu.memory_space<vmem>>[vector<16xi32>], vector<16xf32>,
      %sub3A_349 = arith.subf %gather3A_348, %gather3A_164 : vector<16xf32>
      %swap3A_350 = arith.index_cast %add3A_345 : i32 to index
      %swap3A_351 = tpu.vector_load %arg13[%swap3A_350] {strides = array<i32>} : memref<12288xf32, #tpu.memory_space<vmem>>, vector<16xf32>,
      tpu.vector_store %arg13[%swap3A_350], %sub3A_349 {strides = array<i32>} : memref<12288xf32, #tpu.memory_space<vmem>>, vector<16xf32>,
      %gather3A_352 = tpu.vector_load_idx %arg7[%select_n3A_339] : memref<16384xf32, #tpu.memory_space<vmem>>[vector<16xi32>], vector<16xf32>,
      %sub3A_353 = arith.subf %gather3A_352, %gather3A_165 : vector<16xf32>
      %add3A_354 = arith.constant 4096 : i32
      %add3A_355 = arith.addi %add3A_354, %add3A_345 : i32
      %swap3A_356 = arith.index_cast %add3A_355 : i32 to index
      %swap3A_357 = tpu.vector_load %arg13[%swap3A_356] {strides = array<i32>} : memref<12288xf32, #tpu.memory_space<vmem>>, vector<16xf32>,
      tpu.vector_store %arg13[%swap3A_356], %sub3A_353 {strides = array<i32>} : memref<12288xf32, #tpu.memory_space<vmem>>, vector<16xf32>,
      %gather3A_358 = tpu.vector_load_idx %arg8[%select_n3A_339] : memref<16384xf32, #tpu.memory_space<vmem>>[vector<16xi32>], vector<16xf32>,
      %sub3A_359 = arith.subf %gather3A_358, %gather3A_166 : vector<16xf32>
      %add3A_360 = arith.constant 8192 : i32
      %add3A_361 = arith.addi %add3A_360, %add3A_345 : i32
      %swap3A_362 = arith.index_cast %add3A_361 : i32 to index
      %swap3A_363 = tpu.vector_load %arg13[%swap3A_362] {strides = array<i32>} : memref<12288xf32, #tpu.memory_space<vmem>>, vector<16xf32>,
      tpu.vector_store %arg13[%swap3A_362], %sub3A_359 {strides = array<i32>} : memref<12288xf32, #tpu.memory_space<vmem>>, vector<16xf32>,
      %add3A_364 = arith.constant 1 : i32
      %add3A_365 = vector.broadcast %add3A_364 : i32 to vector<16xi32>
      %add3A_366 = arith.addi %while3A_199#3, %add3A_365 : vector<16xi32>
      %get3A_367 = arith.constant 0 : index
      %get3A_368 = tpu.vector_load %arg16[%get3A_367] {strides = array<i32>} : memref<48xi32, #tpu.memory_space<vmem>>, vector<16xi32>,
      %eq3A_369 = arith.constant 0 : i32
      %eq3A_370 = vector.broadcast %eq3A_369 : i32 to vector<16xi32>
      %eq3A_371 = arith.cmpi eq, %iota3A, %eq3A_370 : vector<16xi32>
      %jit3A_372 = arith.constant 1073741824 : i32
      %broadcast_in_dim3A_373 = vector.broadcast %jit3A_372 : i32 to vector<16xi32>
      %select_n3A_374 = arith.select %eq3A_371, %get3A_368, %broadcast_in_dim3A_373 : vector<16xi1>, vector<16xi32>
      %reduce_min3A_375 = arith.constant true
      %reduce_min3A_376 = vector.broadcast %reduce_min3A_375 : i1 to vector<16xi1>
      %reduce_min3A_377 = arith.constant -2147483648 : i32
      %reduce_min3A_378 = vector.broadcast %reduce_min3A_377 : i32 to vector<16xi32>
      %reduce_min3A_379 = arith.xori %select_n3A_374, %reduce_min3A_378 : vector<16xi32>
      %reduce_min3A_380 = tpu.scan <min>, %reduce_min3A_379 masked %reduce_min3A_376 : vector<16xi32>, vector<16xi1> -> vector<16xi32>
      %reduce_min3A_381 = arith.xori %reduce_min3A_380, %reduce_min3A_378 : vector<16xi32>
      %reduce_min3A_382 = vector.extract %reduce_min3A_381[15] : i32 from vector<16xi32>
      %add3A_383 = vector.broadcast %reduce_min3A_382 : i32 to vector<16xi32>
      %add3A_384 = arith.addi %broadcast_in_dim3A_72, %add3A_383 : vector<16xi32>
      %add3A_385 = arith.constant 0 : i32
      %add3A_386 = vector.broadcast %add3A_385 : i32 to vector<16xi32>
      %add3A_387 = arith.addi %iota3A, %add3A_386 : vector<16xi32>
      %get3A_388 = arith.constant 0 : index
      %get3A_389 = tpu.vector_load %arg16[%get3A_388] {strides = array<i32>} : memref<48xi32, #tpu.memory_space<vmem>>, vector<16xi32>,
      %lt3A_390 = arith.cmpi slt, %add3A_387, %add3A_366 : vector<16xi32>
      %select_n3A_391 = arith.select %lt3A_390, %get3A_389, %add3A_384 : vector<16xi1>, vector<16xi32>
      %add3A_392 = arith.constant 2 : i32
      %add3A_393 = arith.addi %mul3A_152, %add3A_392 : i32
      %mul3A_394 = arith.constant 32 : i32
      %mul3A_395 = arith.muli %add3A_393, %mul3A_394 : i32
      %add3A_396 = arith.constant 0 : i32
      %add3A_397 = arith.addi %mul3A_395, %add3A_396 : i32
      %swap3A_398 = arith.index_cast %add3A_397 : i32 to index
      %swap3A_399 = tpu.vector_load %arg12[%swap3A_398] {strides = array<i32>} : memref<4096xi32, #tpu.memory_space<vmem>>, vector<16xi32>,
      tpu.vector_store %arg12[%swap3A_398], %select_n3A_391 {strides = array<i32>} : memref<4096xi32, #tpu.memory_space<vmem>>, vector<16xi32>,
      %gather3A_400 = tpu.vector_load_idx %arg6[%select_n3A_391] : memref<16384xf32, #tpu.memory_space<vmem>>[vector<16xi32>], vector<16xf32>,
      %sub3A_401 = arith.subf %gather3A_400, %gather3A_173 : vector<16xf32>
      %swap3A_402 = arith.index_cast %add3A_397 : i32 to index
      %swap3A_403 = tpu.vector_load %arg13[%swap3A_402] {strides = array<i32>} : memref<12288xf32, #tpu.memory_space<vmem>>, vector<16xf32>,
      tpu.vector_store %arg13[%swap3A_402], %sub3A_401 {strides = array<i32>} : memref<12288xf32, #tpu.memory_space<vmem>>, vector<16xf32>,
      %gather3A_404 = tpu.vector_load_idx %arg7[%select_n3A_391] : memref<16384xf32, #tpu.memory_space<vmem>>[vector<16xi32>], vector<16xf32>,
      %sub3A_405 = arith.subf %gather3A_404, %gather3A_174 : vector<16xf32>
      %add3A_406 = arith.constant 4096 : i32
      %add3A_407 = arith.addi %add3A_406, %add3A_397 : i32
      %swap3A_408 = arith.index_cast %add3A_407 : i32 to index
      %swap3A_409 = tpu.vector_load %arg13[%swap3A_408] {strides = array<i32>} : memref<12288xf32, #tpu.memory_space<vmem>>, vector<16xf32>,
      tpu.vector_store %arg13[%swap3A_408], %sub3A_405 {strides = array<i32>} : memref<12288xf32, #tpu.memory_space<vmem>>, vector<16xf32>,
      %gather3A_410 = tpu.vector_load_idx %arg8[%select_n3A_391] : memref<16384xf32, #tpu.memory_space<vmem>>[vector<16xi32>], vector<16xf32>,
      %sub3A_411 = arith.subf %gather3A_410, %gather3A_175 : vector<16xf32>
      %add3A_412 = arith.constant 8192 : i32
      %add3A_413 = arith.addi %add3A_412, %add3A_397 : i32
      %swap3A_414 = arith.index_cast %add3A_413 : i32 to index
      %swap3A_415 = tpu.vector_load %arg13[%swap3A_414] {strides = array<i32>} : memref<12288xf32, #tpu.memory_space<vmem>>, vector<16xf32>,
      tpu.vector_store %arg13[%swap3A_414], %sub3A_411 {strides = array<i32>} : memref<12288xf32, #tpu.memory_space<vmem>>, vector<16xf32>,
      %add3A_416 = arith.constant 16 : i32
      %add3A_417 = vector.broadcast %add3A_416 : i32 to vector<16xi32>
      %add3A_418 = arith.addi %iota3A, %add3A_417 : vector<16xi32>
      %get3A_419 = arith.constant 16 : index
      %get3A_420 = tpu.vector_load %arg16[%get3A_419] {strides = array<i32>} : memref<48xi32, #tpu.memory_space<vmem>>, vector<16xi32>,
      %lt3A_421 = arith.cmpi slt, %add3A_418, %add3A_366 : vector<16xi32>
      %select_n3A_422 = arith.select %lt3A_421, %get3A_420, %add3A_384 : vector<16xi1>, vector<16xi32>
      %add3A_423 = arith.constant 2 : i32
      %add3A_424 = arith.addi %mul3A_152, %add3A_423 : i32
      %mul3A_425 = arith.constant 32 : i32
      %mul3A_426 = arith.muli %add3A_424, %mul3A_425 : i32
      %add3A_427 = arith.constant 16 : i32
      %add3A_428 = arith.addi %mul3A_426, %add3A_427 : i32
      %swap3A_429 = arith.index_cast %add3A_428 : i32 to index
      %swap3A_430 = tpu.vector_load %arg12[%swap3A_429] {strides = array<i32>} : memref<4096xi32, #tpu.memory_space<vmem>>, vector<16xi32>,
      tpu.vector_store %arg12[%swap3A_429], %select_n3A_422 {strides = array<i32>} : memref<4096xi32, #tpu.memory_space<vmem>>, vector<16xi32>,
      %gather3A_431 = tpu.vector_load_idx %arg6[%select_n3A_422] : memref<16384xf32, #tpu.memory_space<vmem>>[vector<16xi32>], vector<16xf32>,
      %sub3A_432 = arith.subf %gather3A_431, %gather3A_173 : vector<16xf32>
      %swap3A_433 = arith.index_cast %add3A_428 : i32 to index
      %swap3A_434 = tpu.vector_load %arg13[%swap3A_433] {strides = array<i32>} : memref<12288xf32, #tpu.memory_space<vmem>>, vector<16xf32>,
      tpu.vector_store %arg13[%swap3A_433], %sub3A_432 {strides = array<i32>} : memref<12288xf32, #tpu.memory_space<vmem>>, vector<16xf32>,
      %gather3A_435 = tpu.vector_load_idx %arg7[%select_n3A_422] : memref<16384xf32, #tpu.memory_space<vmem>>[vector<16xi32>], vector<16xf32>,
      %sub3A_436 = arith.subf %gather3A_435, %gather3A_174 : vector<16xf32>
      %add3A_437 = arith.constant 4096 : i32
      %add3A_438 = arith.addi %add3A_437, %add3A_428 : i32
      %swap3A_439 = arith.index_cast %add3A_438 : i32 to index
      %swap3A_440 = tpu.vector_load %arg13[%swap3A_439] {strides = array<i32>} : memref<12288xf32, #tpu.memory_space<vmem>>, vector<16xf32>,
      tpu.vector_store %arg13[%swap3A_439], %sub3A_436 {strides = array<i32>} : memref<12288xf32, #tpu.memory_space<vmem>>, vector<16xf32>,
      %gather3A_441 = tpu.vector_load_idx %arg8[%select_n3A_422] : memref<16384xf32, #tpu.memory_space<vmem>>[vector<16xi32>], vector<16xf32>,
      %sub3A_442 = arith.subf %gather3A_441, %gather3A_175 : vector<16xf32>
      %add3A_443 = arith.constant 8192 : i32
      %add3A_444 = arith.addi %add3A_443, %add3A_428 : i32
      %swap3A_445 = arith.index_cast %add3A_444 : i32 to index
      %swap3A_446 = tpu.vector_load %arg13[%swap3A_445] {strides = array<i32>} : memref<12288xf32, #tpu.memory_space<vmem>>, vector<16xf32>,
      tpu.vector_store %arg13[%swap3A_445], %sub3A_442 {strides = array<i32>} : memref<12288xf32, #tpu.memory_space<vmem>>, vector<16xf32>,
      %add3A_447 = arith.constant 1 : i32
      %add3A_448 = vector.broadcast %add3A_447 : i32 to vector<16xi32>
      %add3A_449 = arith.addi %while3A_199#4, %add3A_448 : vector<16xi32>
      %get3A_450 = arith.constant 0 : index
      %get3A_451 = tpu.vector_load %arg17[%get3A_450] {strides = array<i32>} : memref<48xi32, #tpu.memory_space<vmem>>, vector<16xi32>,
      %eq3A_452 = arith.constant 0 : i32
      %eq3A_453 = vector.broadcast %eq3A_452 : i32 to vector<16xi32>
      %eq3A_454 = arith.cmpi eq, %iota3A, %eq3A_453 : vector<16xi32>
      %jit3A_455 = arith.constant 1073741824 : i32
      %broadcast_in_dim3A_456 = vector.broadcast %jit3A_455 : i32 to vector<16xi32>
      %select_n3A_457 = arith.select %eq3A_454, %get3A_451, %broadcast_in_dim3A_456 : vector<16xi1>, vector<16xi32>
      %reduce_min3A_458 = arith.constant true
      %reduce_min3A_459 = vector.broadcast %reduce_min3A_458 : i1 to vector<16xi1>
      %reduce_min3A_460 = arith.constant -2147483648 : i32
      %reduce_min3A_461 = vector.broadcast %reduce_min3A_460 : i32 to vector<16xi32>
      %reduce_min3A_462 = arith.xori %select_n3A_457, %reduce_min3A_461 : vector<16xi32>
      %reduce_min3A_463 = tpu.scan <min>, %reduce_min3A_462 masked %reduce_min3A_459 : vector<16xi32>, vector<16xi1> -> vector<16xi32>
      %reduce_min3A_464 = arith.xori %reduce_min3A_463, %reduce_min3A_461 : vector<16xi32>
      %reduce_min3A_465 = vector.extract %reduce_min3A_464[15] : i32 from vector<16xi32>
      %add3A_466 = vector.broadcast %reduce_min3A_465 : i32 to vector<16xi32>
      %add3A_467 = arith.addi %broadcast_in_dim3A_72, %add3A_466 : vector<16xi32>
      %add3A_468 = arith.constant 0 : i32
      %add3A_469 = vector.broadcast %add3A_468 : i32 to vector<16xi32>
      %add3A_470 = arith.addi %iota3A, %add3A_469 : vector<16xi32>
      %get3A_471 = arith.constant 0 : index
      %get3A_472 = tpu.vector_load %arg17[%get3A_471] {strides = array<i32>} : memref<48xi32, #tpu.memory_space<vmem>>, vector<16xi32>,
      %lt3A_473 = arith.cmpi slt, %add3A_470, %add3A_449 : vector<16xi32>
      %select_n3A_474 = arith.select %lt3A_473, %get3A_472, %add3A_467 : vector<16xi1>, vector<16xi32>
      %add3A_475 = arith.constant 3 : i32
      %add3A_476 = arith.addi %mul3A_152, %add3A_475 : i32
      %mul3A_477 = arith.constant 32 : i32
      %mul3A_478 = arith.muli %add3A_476, %mul3A_477 : i32
      %add3A_479 = arith.constant 0 : i32
      %add3A_480 = arith.addi %mul3A_478, %add3A_479 : i32
      %swap3A_481 = arith.index_cast %add3A_480 : i32 to index
      %swap3A_482 = tpu.vector_load %arg12[%swap3A_481] {strides = array<i32>} : memref<4096xi32, #tpu.memory_space<vmem>>, vector<16xi32>,
      tpu.vector_store %arg12[%swap3A_481], %select_n3A_474 {strides = array<i32>} : memref<4096xi32, #tpu.memory_space<vmem>>, vector<16xi32>,
      %gather3A_483 = tpu.vector_load_idx %arg6[%select_n3A_474] : memref<16384xf32, #tpu.memory_space<vmem>>[vector<16xi32>], vector<16xf32>,
      %sub3A_484 = arith.subf %gather3A_483, %gather3A_182 : vector<16xf32>
      %swap3A_485 = arith.index_cast %add3A_480 : i32 to index
      %swap3A_486 = tpu.vector_load %arg13[%swap3A_485] {strides = array<i32>} : memref<12288xf32, #tpu.memory_space<vmem>>, vector<16xf32>,
      tpu.vector_store %arg13[%swap3A_485], %sub3A_484 {strides = array<i32>} : memref<12288xf32, #tpu.memory_space<vmem>>, vector<16xf32>,
      %gather3A_487 = tpu.vector_load_idx %arg7[%select_n3A_474] : memref<16384xf32, #tpu.memory_space<vmem>>[vector<16xi32>], vector<16xf32>,
      %sub3A_488 = arith.subf %gather3A_487, %gather3A_183 : vector<16xf32>
      %add3A_489 = arith.constant 4096 : i32
      %add3A_490 = arith.addi %add3A_489, %add3A_480 : i32
      %swap3A_491 = arith.index_cast %add3A_490 : i32 to index
      %swap3A_492 = tpu.vector_load %arg13[%swap3A_491] {strides = array<i32>} : memref<12288xf32, #tpu.memory_space<vmem>>, vector<16xf32>,
      tpu.vector_store %arg13[%swap3A_491], %sub3A_488 {strides = array<i32>} : memref<12288xf32, #tpu.memory_space<vmem>>, vector<16xf32>,
      %gather3A_493 = tpu.vector_load_idx %arg8[%select_n3A_474] : memref<16384xf32, #tpu.memory_space<vmem>>[vector<16xi32>], vector<16xf32>,
      %sub3A_494 = arith.subf %gather3A_493, %gather3A_184 : vector<16xf32>
      %add3A_495 = arith.constant 8192 : i32
      %add3A_496 = arith.addi %add3A_495, %add3A_480 : i32
      %swap3A_497 = arith.index_cast %add3A_496 : i32 to index
      %swap3A_498 = tpu.vector_load %arg13[%swap3A_497] {strides = array<i32>} : memref<12288xf32, #tpu.memory_space<vmem>>, vector<16xf32>,
      tpu.vector_store %arg13[%swap3A_497], %sub3A_494 {strides = array<i32>} : memref<12288xf32, #tpu.memory_space<vmem>>, vector<16xf32>,
      %add3A_499 = arith.constant 16 : i32
      %add3A_500 = vector.broadcast %add3A_499 : i32 to vector<16xi32>
      %add3A_501 = arith.addi %iota3A, %add3A_500 : vector<16xi32>
      %get3A_502 = arith.constant 16 : index
      %get3A_503 = tpu.vector_load %arg17[%get3A_502] {strides = array<i32>} : memref<48xi32, #tpu.memory_space<vmem>>, vector<16xi32>,
      %lt3A_504 = arith.cmpi slt, %add3A_501, %add3A_449 : vector<16xi32>
      %select_n3A_505 = arith.select %lt3A_504, %get3A_503, %add3A_467 : vector<16xi1>, vector<16xi32>
      %add3A_506 = arith.constant 3 : i32
      %add3A_507 = arith.addi %mul3A_152, %add3A_506 : i32
      %mul3A_508 = arith.constant 32 : i32
      %mul3A_509 = arith.muli %add3A_507, %mul3A_508 : i32
      %add3A_510 = arith.constant 16 : i32
      %add3A_511 = arith.addi %mul3A_509, %add3A_510 : i32
      %swap3A_512 = arith.index_cast %add3A_511 : i32 to index
      %swap3A_513 = tpu.vector_load %arg12[%swap3A_512] {strides = array<i32>} : memref<4096xi32, #tpu.memory_space<vmem>>, vector<16xi32>,
      tpu.vector_store %arg12[%swap3A_512], %select_n3A_505 {strides = array<i32>} : memref<4096xi32, #tpu.memory_space<vmem>>, vector<16xi32>,
      %gather3A_514 = tpu.vector_load_idx %arg6[%select_n3A_505] : memref<16384xf32, #tpu.memory_space<vmem>>[vector<16xi32>], vector<16xf32>,
      %sub3A_515 = arith.subf %gather3A_514, %gather3A_182 : vector<16xf32>
      %swap3A_516 = arith.index_cast %add3A_511 : i32 to index
      %swap3A_517 = tpu.vector_load %arg13[%swap3A_516] {strides = array<i32>} : memref<12288xf32, #tpu.memory_space<vmem>>, vector<16xf32>,
      tpu.vector_store %arg13[%swap3A_516], %sub3A_515 {strides = array<i32>} : memref<12288xf32, #tpu.memory_space<vmem>>, vector<16xf32>,
      %gather3A_518 = tpu.vector_load_idx %arg7[%select_n3A_505] : memref<16384xf32, #tpu.memory_space<vmem>>[vector<16xi32>], vector<16xf32>,
      %sub3A_519 = arith.subf %gather3A_518, %gather3A_183 : vector<16xf32>
      %add3A_520 = arith.constant 4096 : i32
      %add3A_521 = arith.addi %add3A_520, %add3A_511 : i32
      %swap3A_522 = arith.index_cast %add3A_521 : i32 to index
      %swap3A_523 = tpu.vector_load %arg13[%swap3A_522] {strides = array<i32>} : memref<12288xf32, #tpu.memory_space<vmem>>, vector<16xf32>,
      tpu.vector_store %arg13[%swap3A_522], %sub3A_519 {strides = array<i32>} : memref<12288xf32, #tpu.memory_space<vmem>>, vector<16xf32>,
      %gather3A_524 = tpu.vector_load_idx %arg8[%select_n3A_505] : memref<16384xf32, #tpu.memory_space<vmem>>[vector<16xi32>], vector<16xf32>,
      %sub3A_525 = arith.subf %gather3A_524, %gather3A_184 : vector<16xf32>
      %add3A_526 = arith.constant 8192 : i32
      %add3A_527 = arith.addi %add3A_526, %add3A_511 : i32
      %swap3A_528 = arith.index_cast %add3A_527 : i32 to index
      %swap3A_529 = tpu.vector_load %arg13[%swap3A_528] {strides = array<i32>} : memref<12288xf32, #tpu.memory_space<vmem>>, vector<16xf32>,
      tpu.vector_store %arg13[%swap3A_528], %sub3A_525 {strides = array<i32>} : memref<12288xf32, #tpu.memory_space<vmem>>, vector<16xf32>,
    }
    %scan3A_77 = arith.constant 32 : i32
    %jit3A_78 = arith.constant 2 : i32
    %eq3A_79 = arith.constant 0 : i32
    %eq3A_80 = arith.cmpi eq, %jit3A_78, %eq3A_79 : i32
    %jit3A_81 = arith.constant 1 : i32
    %select_n3A_82 = arith.select %eq3A_80, %jit3A_81, %jit3A_78 : i32
    %rem3A_83 = arith.remsi %select_n3A, %select_n3A_82 : i32
    %ne3A_84 = arith.constant 0 : i32
    %ne3A_85 = arith.cmpi ne, %rem3A_83, %ne3A_84 : i32
    %lt3A_86 = arith.constant 0 : i32
    %lt3A_87 = arith.cmpi slt, %rem3A_83, %lt3A_86 : i32
    %lt3A_88 = arith.constant 0 : i32
    %lt3A_89 = arith.cmpi slt, %select_n3A_82, %lt3A_88 : i32
    %ne3A_90 = arith.xori %lt3A_87, %lt3A_89 : i1
    %and3A_91 = arith.andi %ne3A_90, %ne3A_85 : i1
    %add3A_92 = arith.addi %rem3A_83, %select_n3A_82 : i32
    %select_n3A_93 = arith.select %and3A_91, %add3A_92, %rem3A_83 : i32
    %mul3A_94 = arith.constant 32768 : i32
    %mul3A_95 = arith.muli %select_n3A_93, %mul3A_94 : i32
    %mul3A_96 = arith.constant 32 : i32
    %mul3A_97 = arith.muli %mul3A_50, %mul3A_96 : i32
    %add3A_98 = arith.addi %mul3A_95, %mul3A_97 : i32
    "tpu.region"() ({
      %run_scoped3A = tpu.sem_alloc : memref<!tpu.dma_semaphore, #tpu.memory_space<semaphore_mem>>
      %dma_start3A = tpu.memref_slice %arg21[%add3A_98] : memref<65536xi32, #tpu.memory_space<vmem_shared>> -> memref<4096xi32, #tpu.memory_space<vmem_shared>>
      %dma_start3A_150 = tpu.memref_slice %arg21[%add3A_98] : memref<65536xi32, #tpu.memory_space<vmem_shared>> -> memref<4096xi32, #tpu.memory_space<vmem_shared>>
      tpu.enqueue_dma source(%arg12 : memref<4096xi32, #tpu.memory_space<vmem>>) target(%dma_start3A_150 : memref<4096xi32, #tpu.memory_space<vmem_shared>>) target_semaphore(%run_scoped3A : memref<!tpu.dma_semaphore, #tpu.memory_space<semaphore_mem>>)
      %dma_wait3A = tpu.memref_slice %arg21[%add3A_98] : memref<65536xi32, #tpu.memory_space<vmem_shared>> -> memref<4096xi32, #tpu.memory_space<vmem_shared>>
      %dma_wait3A_151 = tpu.memref_slice %arg21[%add3A_98] : memref<65536xi32, #tpu.memory_space<vmem_shared>> -> memref<4096xi32, #tpu.memory_space<vmem_shared>>
      tpu.wait_dma2 semaphore(%run_scoped3A : memref<!tpu.dma_semaphore, #tpu.memory_space<semaphore_mem>>) src(%arg12 : memref<4096xi32, #tpu.memory_space<vmem>>) dst(%dma_wait3A_151 : memref<4096xi32, #tpu.memory_space<vmem_shared>>)
      tpu.yield
    }) : () -> ()
    %mul3A_99 = arith.constant 67 : i32
    %mul3A_100 = arith.muli %select_n3A, %mul3A_99 : i32
    %add3A_101 = arith.constant 0 : i32
    %add3A_102 = arith.addi %mul3A_100, %add3A_101 : i32
    %mul3A_103 = arith.constant 1024 : i32
    %mul3A_104 = arith.muli %add3A_102, %mul3A_103 : i32
    %add3A_105 = arith.addi %mul3A_104, %mul3A_50 : i32
    %mul3A_106 = arith.constant 32 : i32
    %mul3A_107 = arith.muli %add3A_105, %mul3A_106 : i32
    "tpu.region"() ({
      %run_scoped3A = tpu.sem_alloc : memref<!tpu.dma_semaphore, #tpu.memory_space<semaphore_mem>>
      %dma_start3A = arith.constant 0 : i32
      %dma_start3A_150 = tpu.memref_slice %arg13[%dma_start3A] : memref<12288xf32, #tpu.memory_space<vmem>> -> memref<4096xf32, #tpu.memory_space<vmem>>
      %dma_start3A_151 = tpu.memref_slice %arg5[%mul3A_107] : memref<8781824xf32, #tpu.memory_space<hbm>> -> memref<4096xf32, #tpu.memory_space<hbm>>
      %dma_start3A_152 = tpu.memref_slice %arg5[%mul3A_107] : memref<8781824xf32, #tpu.memory_space<hbm>> -> memref<4096xf32, #tpu.memory_space<hbm>>
      %dma_start3A_153 = arith.constant 0 : i32
      %dma_start3A_154 = tpu.memref_slice %arg13[%dma_start3A_153] : memref<12288xf32, #tpu.memory_space<vmem>> -> memref<4096xf32, #tpu.memory_space<vmem>>
      tpu.enqueue_dma source(%dma_start3A_154 : memref<4096xf32, #tpu.memory_space<vmem>>) target(%dma_start3A_152 : memref<4096xf32, #tpu.memory_space<hbm>>) target_semaphore(%run_scoped3A : memref<!tpu.dma_semaphore, #tpu.memory_space<semaphore_mem>>)
      %dma_wait3A = arith.constant 0 : i32
      %dma_wait3A_155 = tpu.memref_slice %arg13[%dma_wait3A] : memref<12288xf32, #tpu.memory_space<vmem>> -> memref<4096xf32, #tpu.memory_space<vmem>>
      %dma_wait3A_156 = tpu.memref_slice %arg5[%mul3A_107] : memref<8781824xf32, #tpu.memory_space<hbm>> -> memref<4096xf32, #tpu.memory_space<hbm>>
      %dma_wait3A_157 = tpu.memref_slice %arg5[%mul3A_107] : memref<8781824xf32, #tpu.memory_space<hbm>> -> memref<4096xf32, #tpu.memory_space<hbm>>
      %dma_wait3A_158 = arith.constant 0 : i32
      %dma_wait3A_159 = tpu.memref_slice %arg13[%dma_wait3A_158] : memref<12288xf32, #tpu.memory_space<vmem>> -> memref<4096xf32, #tpu.memory_space<vmem>>
      tpu.wait_dma2 semaphore(%run_scoped3A : memref<!tpu.dma_semaphore, #tpu.memory_space<semaphore_mem>>) src(%dma_wait3A_159 : memref<4096xf32, #tpu.memory_space<vmem>>) dst(%dma_wait3A_157 : memref<4096xf32, #tpu.memory_space<hbm>>)
      tpu.yield
    }) : () -> ()
    %mul3A_108 = arith.constant 67 : i32
    %mul3A_109 = arith.muli %select_n3A, %mul3A_108 : i32
    %add3A_110 = arith.constant 1 : i32
    %add3A_111 = arith.addi %mul3A_109, %add3A_110 : i32
    %mul3A_112 = arith.constant 1024 : i32
    %mul3A_113 = arith.muli %add3A_111, %mul3A_112 : i32
    %add3A_114 = arith.addi %mul3A_113, %mul3A_50 : i32
    %mul3A_115 = arith.constant 32 : i32
    %mul3A_116 = arith.muli %add3A_114, %mul3A_115 : i32
    "tpu.region"() ({
      %run_scoped3A = tpu.sem_alloc : memref<!tpu.dma_semaphore, #tpu.memory_space<semaphore_mem>>
      %dma_start3A = arith.constant 4096 : i32
      %dma_start3A_150 = tpu.memref_slice %arg13[%dma_start3A] : memref<12288xf32, #tpu.memory_space<vmem>> -> memref<4096xf32, #tpu.memory_space<vmem>>
      %dma_start3A_151 = tpu.memref_slice %arg5[%mul3A_116] : memref<8781824xf32, #tpu.memory_space<hbm>> -> memref<4096xf32, #tpu.memory_space<hbm>>
      %dma_start3A_152 = tpu.memref_slice %arg5[%mul3A_116] : memref<8781824xf32, #tpu.memory_space<hbm>> -> memref<4096xf32, #tpu.memory_space<hbm>>
      %dma_start3A_153 = arith.constant 4096 : i32
      %dma_start3A_154 = tpu.memref_slice %arg13[%dma_start3A_153] : memref<12288xf32, #tpu.memory_space<vmem>> -> memref<4096xf32, #tpu.memory_space<vmem>>
      tpu.enqueue_dma source(%dma_start3A_154 : memref<4096xf32, #tpu.memory_space<vmem>>) target(%dma_start3A_152 : memref<4096xf32, #tpu.memory_space<hbm>>) target_semaphore(%run_scoped3A : memref<!tpu.dma_semaphore, #tpu.memory_space<semaphore_mem>>)
      %dma_wait3A = arith.constant 4096 : i32
      %dma_wait3A_155 = tpu.memref_slice %arg13[%dma_wait3A] : memref<12288xf32, #tpu.memory_space<vmem>> -> memref<4096xf32, #tpu.memory_space<vmem>>
      %dma_wait3A_156 = tpu.memref_slice %arg5[%mul3A_116] : memref<8781824xf32, #tpu.memory_space<hbm>> -> memref<4096xf32, #tpu.memory_space<hbm>>
      %dma_wait3A_157 = tpu.memref_slice %arg5[%mul3A_116] : memref<8781824xf32, #tpu.memory_space<hbm>> -> memref<4096xf32, #tpu.memory_space<hbm>>
      %dma_wait3A_158 = arith.constant 4096 : i32
      %dma_wait3A_159 = tpu.memref_slice %arg13[%dma_wait3A_158] : memref<12288xf32, #tpu.memory_space<vmem>> -> memref<4096xf32, #tpu.memory_space<vmem>>
      tpu.wait_dma2 semaphore(%run_scoped3A : memref<!tpu.dma_semaphore, #tpu.memory_space<semaphore_mem>>) src(%dma_wait3A_159 : memref<4096xf32, #tpu.memory_space<vmem>>) dst(%dma_wait3A_157 : memref<4096xf32, #tpu.memory_space<hbm>>)
      tpu.yield
    }) : () -> ()
    %mul3A_117 = arith.constant 67 : i32
    %mul3A_118 = arith.muli %select_n3A, %mul3A_117 : i32
    %add3A_119 = arith.constant 2 : i32
    %add3A_120 = arith.addi %mul3A_118, %add3A_119 : i32
    %mul3A_121 = arith.constant 1024 : i32
    %mul3A_122 = arith.muli %add3A_120, %mul3A_121 : i32
    %add3A_123 = arith.addi %mul3A_122, %mul3A_50 : i32
    %mul3A_124 = arith.constant 32 : i32
    %mul3A_125 = arith.muli %add3A_123, %mul3A_124 : i32
    "tpu.region"() ({
      %run_scoped3A = tpu.sem_alloc : memref<!tpu.dma_semaphore, #tpu.memory_space<semaphore_mem>>
      %dma_start3A = arith.constant 8192 : i32
      %dma_start3A_150 = tpu.memref_slice %arg13[%dma_start3A] : memref<12288xf32, #tpu.memory_space<vmem>> -> memref<4096xf32, #tpu.memory_space<vmem>>
      %dma_start3A_151 = tpu.memref_slice %arg5[%mul3A_125] : memref<8781824xf32, #tpu.memory_space<hbm>> -> memref<4096xf32, #tpu.memory_space<hbm>>
      %dma_start3A_152 = tpu.memref_slice %arg5[%mul3A_125] : memref<8781824xf32, #tpu.memory_space<hbm>> -> memref<4096xf32, #tpu.memory_space<hbm>>
      %dma_start3A_153 = arith.constant 8192 : i32
      %dma_start3A_154 = tpu.memref_slice %arg13[%dma_start3A_153] : memref<12288xf32, #tpu.memory_space<vmem>> -> memref<4096xf32, #tpu.memory_space<vmem>>
      tpu.enqueue_dma source(%dma_start3A_154 : memref<4096xf32, #tpu.memory_space<vmem>>) target(%dma_start3A_152 : memref<4096xf32, #tpu.memory_space<hbm>>) target_semaphore(%run_scoped3A : memref<!tpu.dma_semaphore, #tpu.memory_space<semaphore_mem>>)
      %dma_wait3A = arith.constant 8192 : i32
      %dma_wait3A_155 = tpu.memref_slice %arg13[%dma_wait3A] : memref<12288xf32, #tpu.memory_space<vmem>> -> memref<4096xf32, #tpu.memory_space<vmem>>
      %dma_wait3A_156 = tpu.memref_slice %arg5[%mul3A_125] : memref<8781824xf32, #tpu.memory_space<hbm>> -> memref<4096xf32, #tpu.memory_space<hbm>>
      %dma_wait3A_157 = tpu.memref_slice %arg5[%mul3A_125] : memref<8781824xf32, #tpu.memory_space<hbm>> -> memref<4096xf32, #tpu.memory_space<hbm>>
      %dma_wait3A_158 = arith.constant 8192 : i32
      %dma_wait3A_159 = tpu.memref_slice %arg13[%dma_wait3A_158] : memref<12288xf32, #tpu.memory_space<vmem>> -> memref<4096xf32, #tpu.memory_space<vmem>>
      tpu.wait_dma2 semaphore(%run_scoped3A : memref<!tpu.dma_semaphore, #tpu.memory_space<semaphore_mem>>) src(%dma_wait3A_159 : memref<4096xf32, #tpu.memory_space<vmem>>) dst(%dma_wait3A_157 : memref<4096xf32, #tpu.memory_space<hbm>>)
      tpu.yield
    }) : () -> ()
    %barrier3A = arith.constant 0 : index
    tpu.barrier barrier_id(%barrier3A)
    %jit3A_126 = arith.constant 2 : i32
    %eq3A_127 = arith.constant 0 : i32
    %eq3A_128 = arith.cmpi eq, %jit3A_126, %eq3A_127 : i32
    %jit3A_129 = arith.constant 1 : i32
    %select_n3A_130 = arith.select %eq3A_128, %jit3A_129, %jit3A_126 : i32
    %rem3A_131 = arith.remsi %select_n3A, %select_n3A_130 : i32
    %ne3A_132 = arith.constant 0 : i32
    %ne3A_133 = arith.cmpi ne, %rem3A_131, %ne3A_132 : i32
    %lt3A_134 = arith.constant 0 : i32
    %lt3A_135 = arith.cmpi slt, %rem3A_131, %lt3A_134 : i32
    %lt3A_136 = arith.constant 0 : i32
    %lt3A_137 = arith.cmpi slt, %select_n3A_130, %lt3A_136 : i32
    %ne3A_138 = arith.xori %lt3A_135, %lt3A_137 : i1
    %and3A_139 = arith.andi %ne3A_138, %ne3A_133 : i1
    %add3A_140 = arith.addi %rem3A_131, %select_n3A_130 : i32
    %select_n3A_141 = arith.select %and3A_139, %add3A_140, %rem3A_131 : i32
    %mul3A_142 = arith.constant 32768 : i32
    %mul3A_143 = arith.muli %select_n3A_141, %mul3A_142 : i32
    "tpu.region"() ({
      %run_scoped3A = tpu.sem_alloc : memref<!tpu.dma_semaphore, #tpu.memory_space<semaphore_mem>>
      %dma_start3A = tpu.memref_slice %arg21[%mul3A_143] : memref<65536xi32, #tpu.memory_space<vmem_shared>> -> memref<32768xi32, #tpu.memory_space<vmem_shared>>
      %dma_start3A_150 = tpu.memref_slice %arg21[%mul3A_143] : memref<65536xi32, #tpu.memory_space<vmem_shared>> -> memref<32768xi32, #tpu.memory_space<vmem_shared>>
      tpu.enqueue_dma source(%dma_start3A_150 : memref<32768xi32, #tpu.memory_space<vmem_shared>>) target(%arg19 : memref<32768xi32, #tpu.memory_space<vmem>>) target_semaphore(%run_scoped3A : memref<!tpu.dma_semaphore, #tpu.memory_space<semaphore_mem>>)
      %dma_wait3A = tpu.memref_slice %arg21[%mul3A_143] : memref<65536xi32, #tpu.memory_space<vmem_shared>> -> memref<32768xi32, #tpu.memory_space<vmem_shared>>
      %dma_wait3A_151 = tpu.memref_slice %arg21[%mul3A_143] : memref<65536xi32, #tpu.memory_space<vmem_shared>> -> memref<32768xi32, #tpu.memory_space<vmem_shared>>
      tpu.wait_dma2 semaphore(%run_scoped3A : memref<!tpu.dma_semaphore, #tpu.memory_space<semaphore_mem>>) src(%dma_wait3A_151 : memref<32768xi32, #tpu.memory_space<vmem_shared>>) dst(%arg19 : memref<32768xi32, #tpu.memory_space<vmem>>)
      tpu.yield
    }) : () -> ()
    %scan3A_144 = arith.constant 0 : i32
    %scan3A_145 = arith.constant 0 : i32
    %scan3A_146 = arith.constant 8 : i32
    %scan3A_147 = arith.addi %scan3A_145, %scan3A_146 : i32
    %scan3A_148 = arith.constant 1 : i32
    scf.for %scan3A_150 = %scan3A_145 to %scan3A_147 step %scan3A_148  : i32 {
      %mul3A_151 = arith.constant 8 : i32
      %mul3A_152 = arith.muli %mul3A_151, %scan3A_150 : i32
      %add3A_153 = arith.addi %select_n3A_30, %mul3A_152 : i32
      %mul3A_154 = arith.constant 64 : i32
      %mul3A_155 = arith.muli %select_n3A, %mul3A_154 : i32
      %add3A_156 = arith.addi %mul3A_155, %add3A_153 : i32
      %mul3A_157 = arith.constant 16384 : i32
      %mul3A_158 = arith.muli %add3A_156, %mul3A_157 : i32
      "tpu.region"() ({
        %run_scoped3A = tpu.sem_alloc : memref<!tpu.dma_semaphore, #tpu.memory_space<semaphore_mem>>
        %dma_start3A = tpu.memref_slice %arg4[%mul3A_158] : memref<4194304xf32, #tpu.memory_space<hbm>> -> memref<16384xf32, #tpu.memory_space<hbm>>
        %dma_start3A_165 = tpu.memref_slice %arg4[%mul3A_158] : memref<4194304xf32, #tpu.memory_space<hbm>> -> memref<16384xf32, #tpu.memory_space<hbm>>
        tpu.enqueue_dma source(%dma_start3A_165 : memref<16384xf32, #tpu.memory_space<hbm>>) target(%arg18 : memref<16384xf32, #tpu.memory_space<vmem>>) target_semaphore(%run_scoped3A : memref<!tpu.dma_semaphore, #tpu.memory_space<semaphore_mem>>)
        %dma_wait3A = tpu.memref_slice %arg4[%mul3A_158] : memref<4194304xf32, #tpu.memory_space<hbm>> -> memref<16384xf32, #tpu.memory_space<hbm>>
        %dma_wait3A_166 = tpu.memref_slice %arg4[%mul3A_158] : memref<4194304xf32, #tpu.memory_space<hbm>> -> memref<16384xf32, #tpu.memory_space<hbm>>
        tpu.wait_dma2 semaphore(%run_scoped3A : memref<!tpu.dma_semaphore, #tpu.memory_space<semaphore_mem>>) src(%dma_wait3A_166 : memref<16384xf32, #tpu.memory_space<hbm>>) dst(%arg18 : memref<16384xf32, #tpu.memory_space<vmem>>)
        tpu.yield
      }) : () -> ()
      %scan3A_159 = arith.constant 0 : i32
      %scan3A_160 = arith.constant 0 : i32
      %scan3A_161 = arith.constant 4 : i32
      %scan3A_162 = arith.addi %scan3A_160, %scan3A_161 : i32
      %scan3A_163 = arith.constant 1 : i32
      scf.for %scan3A_165 = %scan3A_160 to %scan3A_162 step %scan3A_163  : i32 {
        %mul3A_166 = arith.constant 256 : i32
        %mul3A_167 = arith.muli %scan3A_165, %mul3A_166 : i32
        %parallel_loop3A = arith.constant 0 : i32
        %parallel_loop3A_168 = arith.constant 256 : i32
        %parallel_loop3A_169 = arith.constant 1 : i32
        scf.for %parallel_loop3A_180 = %parallel_loop3A to %parallel_loop3A_168 step %parallel_loop3A_169  : i32 {
          %parallel_loop3A_181 = arith.constant 32 : i32
          %parallel_loop3A_182 = arith.muli %parallel_loop3A_180, %parallel_loop3A_181 : i32
          %parallel_loop3A_183 = arith.constant 0 : i32
          %parallel_loop3A_184 = arith.addi %parallel_loop3A_182, %parallel_loop3A_183 : i32
          %parallel_loop3A_185 = arith.constant 32 : i32
          %parallel_loop3A_186 = arith.muli %mul3A_167, %parallel_loop3A_185 : i32
          %parallel_loop3A_187 = arith.addi %parallel_loop3A_186, %parallel_loop3A_184 : i32
          %parallel_loop3A_188 = arith.index_cast %parallel_loop3A_187 : i32 to index
          %parallel_loop3A_189 = tpu.vector_load %arg19[%parallel_loop3A_188] {strides = array<i32>} : memref<32768xi32, #tpu.memory_space<vmem>>, vector<16xi32>,
          %parallel_loop3A_190 = tpu.vector_load_idx %arg18[%parallel_loop3A_189] : memref<16384xf32, #tpu.memory_space<vmem>>[vector<16xi32>], vector<16xf32>,
          %parallel_loop3A_191 = arith.index_cast %parallel_loop3A_184 : i32 to index
          %parallel_loop3A_192 = tpu.vector_load %arg20[%parallel_loop3A_191] {strides = array<i32>} : memref<8192xf32, #tpu.memory_space<vmem>>, vector<16xf32>,
          tpu.vector_store %arg20[%parallel_loop3A_191], %parallel_loop3A_190 {strides = array<i32>} : memref<8192xf32, #tpu.memory_space<vmem>>, vector<16xf32>,
          %parallel_loop3A_193 = arith.constant 32 : i32
          %parallel_loop3A_194 = arith.muli %parallel_loop3A_180, %parallel_loop3A_193 : i32
          %parallel_loop3A_195 = arith.constant 16 : i32
          %parallel_loop3A_196 = arith.addi %parallel_loop3A_194, %parallel_loop3A_195 : i32
          %parallel_loop3A_197 = arith.constant 32 : i32
          %parallel_loop3A_198 = arith.muli %mul3A_167, %parallel_loop3A_197 : i32
          %parallel_loop3A_199 = arith.addi %parallel_loop3A_198, %parallel_loop3A_196 : i32
          %parallel_loop3A_200 = arith.index_cast %parallel_loop3A_199 : i32 to index
          %parallel_loop3A_201 = tpu.vector_load %arg19[%parallel_loop3A_200] {strides = array<i32>} : memref<32768xi32, #tpu.memory_space<vmem>>, vector<16xi32>,
          %parallel_loop3A_202 = tpu.vector_load_idx %arg18[%parallel_loop3A_201] : memref<16384xf32, #tpu.memory_space<vmem>>[vector<16xi32>], vector<16xf32>,
          %parallel_loop3A_203 = arith.index_cast %parallel_loop3A_196 : i32 to index
          %parallel_loop3A_204 = tpu.vector_load %arg20[%parallel_loop3A_203] {strides = array<i32>} : memref<8192xf32, #tpu.memory_space<vmem>>, vector<16xf32>,
          tpu.vector_store %arg20[%parallel_loop3A_203], %parallel_loop3A_202 {strides = array<i32>} : memref<8192xf32, #tpu.memory_space<vmem>>, vector<16xf32>,
        } {sc.loop_unroll_factor = 4 : i64, sc.parallel_access}
        %mul3A_170 = arith.constant 67 : i32
        %mul3A_171 = arith.muli %select_n3A, %mul3A_170 : i32
        %add3A_172 = arith.constant 3 : i32
        %add3A_173 = arith.addi %mul3A_171, %add3A_172 : i32
        %add3A_174 = arith.addi %add3A_173, %add3A_153 : i32
        %mul3A_175 = arith.constant 1024 : i32
        %mul3A_176 = arith.muli %add3A_174, %mul3A_175 : i32
        %add3A_177 = arith.addi %mul3A_176, %mul3A_167 : i32
        %mul3A_178 = arith.constant 32 : i32
        %mul3A_179 = arith.muli %add3A_177, %mul3A_178 : i32
        "tpu.region"() ({
          %run_scoped3A = tpu.sem_alloc : memref<!tpu.dma_semaphore, #tpu.memory_space<semaphore_mem>>
          %dma_start3A = tpu.memref_slice %arg5[%mul3A_179] : memref<8781824xf32, #tpu.memory_space<hbm>> -> memref<8192xf32, #tpu.memory_space<hbm>>
          %dma_start3A_180 = tpu.memref_slice %arg5[%mul3A_179] : memref<8781824xf32, #tpu.memory_space<hbm>> -> memref<8192xf32, #tpu.memory_space<hbm>>
          tpu.enqueue_dma source(%arg20 : memref<8192xf32, #tpu.memory_space<vmem>>) target(%dma_start3A_180 : memref<8192xf32, #tpu.memory_space<hbm>>) target_semaphore(%run_scoped3A : memref<!tpu.dma_semaphore, #tpu.memory_space<semaphore_mem>>)
          %dma_wait3A = tpu.memref_slice %arg5[%mul3A_179] : memref<8781824xf32, #tpu.memory_space<hbm>> -> memref<8192xf32, #tpu.memory_space<hbm>>
          %dma_wait3A_181 = tpu.memref_slice %arg5[%mul3A_179] : memref<8781824xf32, #tpu.memory_space<hbm>> -> memref<8192xf32, #tpu.memory_space<hbm>>
          tpu.wait_dma2 semaphore(%run_scoped3A : memref<!tpu.dma_semaphore, #tpu.memory_space<semaphore_mem>>) src(%arg20 : memref<8192xf32, #tpu.memory_space<vmem>>) dst(%dma_wait3A_181 : memref<8192xf32, #tpu.memory_space<hbm>>)
          tpu.yield
        }) : () -> ()
      }
      %scan3A_164 = arith.constant 4 : i32
    }
    %scan3A_149 = arith.constant 8 : i32
    return
  }
}

</mosaic_0001>

<sc_bundles>
// kernel: kernel.3.cloned.1.call-start
scs
__scs_entry_jumppad:
0x0: {  	(pc) =	sbr.rel $0x88, $3  }
0x1: {  	(tag) =	ssettag $0x0;
	lr =	simm.s32 $0x1  }
0x2: {  	[smem:$0x3F9E] =	sst lr;
	_ =	strace $0xD0000000  }
0x3: {  	_ = 	snop  }
0x4: {  	_ = 	snop  }
0x5: {  	_ = 	snop  }
0x6: {  	_ = 	snop  }
0x7: {  	_ = 	snop  }
__scs_overlays_trampoline_lowered:
0x8: {  	[smem:$0x3FAD] =	sst s0  }
0x9: {  	[smem:$0x3FAE] =	sst s1  }
0xa: {  	[smem:$0x3FAF] =	sst s2  }
0xb: {  	[smem:$0x3FB0] =	sst s3  }
0xc: {  	[smem:$0x3FB1] =	sst s4  }
0xd: {  	[smem:$0x3FB2] =	sst s5  }
0xe: {  	[smem:$0x3FB3] =	sst s6  }
0xf: {  	[smem:$0x3FB4] =	sst s7  }
0x10: {  	[smem:$0x3FB5] =	sst s8  }
0x11: {  	[smem:$0x3FB6] =	sst s9;
	s0 =	simm.s32 @!p0 $0x0  }
0x12: {  	s1 =	sld [smem:$0x3F9C];
	s0 =	simm.s32 @p0 $0x1  }
0x13: {  	[smem:$0x3FB7] =	sst s0;
	s0 =	simm.s32 @!p1 $0x0  }
0x14: {  	s2 =	sld [smem:$0x3F9B];
	s0 =	simm.s32 @p1 $0x1  }
0x15: {  	[smem:$0x3FB8] =	sst s0;
	s0 =	simm.s32 @!p2 $0x0  }
0x16: {  	s3 =	sld [smem:$0x3FDB];
	s0 =	simm.s32 @p2 $0x1  }
0x17: {  	s4 =	simm.s32 $0x1BF5;
	[smem:$0x3FBA] =	sst s0  }
0x18: {  	s0 =	sld [smem:$0x3F9D];
	_ =	swait.ge [sflag:s4], $0x0  }
0x19: {  	s7 =	sld [smem:$0x3F9E]  }
0x1a: {  	s8 =	sadd.s32 $0xFFFFE003, lr  }
0x1b: {  	s9 =	sadd.s32 $0xFFFFFEF7, lr;
	s5 =	simm.s32 $0xFFFFFFFF;
	p2 =	slt.u32 s8, $0xFFFFF086  }
0x1c: {  	p1 =	slt.u32 s9, $0xF7A;
	s5 =	simm.s32 @!p2 $0x0  }
0x1d: {  	s5 =	simm.s32 @p1 $0x1;
	p0 =	seq.s32 s7, s2  }
0x1e: {  	s7 =	smul.u32 @!p0 $0xF7A, s2;
	p2 =	seq.s32 @!p0 s5, $0x0  }
0x1f: {  	s9 =	smul.u32 $0xF7A, s1;
	s8 =	simm.s32 @!p0 $0x1BF5;
	p2 =	por !p2, p0  }
0x20: {  	[sflag:s8] =	ssyncset.s32 @!p0 $0xFFFFF086;
	s6 =	sadd.s32 @!p0 s3, s7;
	s7 =	simm.s32 @!p0 $0x108  }
0x21: {  	s3 =	sadd.s32 s3, s9;
	s6 =	sadd.s32 @!p0 $0x88, s6;
	s7 =	simm.s32 @p2 $0x1082  }
0x22: {  	[simem:s7], [sflag:s8] =	dma.local @!p0 [hbm:s6], $0xF7A  }
0x23: {  	s9 =	sor.u32 $0xD0000000, s2;
	s6 =	simm.s32 $0x108;
	_ =	swait.ge @!p0 [sflag:s8], $0x0  }
0x24: {  	s3 =	sadd.s32 $0x88, s3;
	s6 =	simm.s32 @!p1 $0x1082;
	[sflag:s4] =	ssyncset.s32 $0xFFFFF086  }
0x25: {  	[simem:s6], [sflag:s4] =	dma.local [hbm:s3], $0xF7A  }
0x26: {  	[smem:$0x3F9E] =	sst s1;
	(tag) =	ssettag s2;
	_ =	strace s9  }
0x27: {  	s1 =	sld [smem:$0x3FAE]  }
0x28: {  	s2 =	sld [smem:$0x3FAF]  }
0x29: {  	s4 =	sld [smem:$0x3FB1]  }
0x2a: {  	p0 =	seq.s32 s5, $0x0;
	s5 =	sld [smem:$0x3FB2]  }
0x2b: {  	s6 =	sld [smem:$0x3FB3]  }
0x2c: {  	s7 =	sld [smem:$0x3FB4]  }
0x2d: {  	s3 =	simm.s32 $0x108;
	s8 =	sld [smem:$0x3FB5]  }
0x2e: {  	s3 =	simm.s32 @!p0 $0x1082;
	s9 =	sld [smem:$0x3FB6]  }
0x2f: {  	lr =	sadd.s32 s0, s3;
	s0 =	sld [smem:$0x3FAD]  }
0x30: {  	s3 =	sld [smem:$0x3FB0]  }
0x31: {  	[smem:$0x3FB9] =	sst s10  }
0x32: {  	s10 =	sld [smem:$0x3FB7];
	_ =	sdelay $0x3  }
0x33: {  	p0 =	seq.s32 s10, $0x1;
	s10 =	sld [smem:$0x3FB9];
	_ =	sdelay $0x3  }
0x34: {  	[smem:$0x3FB9] =	sst s10  }
0x35: {  	s10 =	sld [smem:$0x3FB8];
	_ =	sdelay $0x3  }
0x36: {  	p1 =	seq.s32 s10, $0x1;
	s10 =	sld [smem:$0x3FB9];
	_ =	sdelay $0x3  }
0x37: {  	[smem:$0x3FB9] =	sst s10  }
0x38: {  	s10 =	sld [smem:$0x3FBA]  }
0x39: {  	_ = 	snop;
	(pc) =	sbr.ind lr, $3  }
0x3a: {  	_ = 	snop  }
0x3b: {  	_ = 	snop  }
0x3c: {  	p2 =	seq.s32 s10, $0x1;
	s10 =	sld [smem:$0x3FB9]  }
0x3d: {  	_ =	shalt  }
0x3e: {  	_ =	shalt  }
0x3f: {  	_ =	shalt  }
0x40: {  	_ =	shalt  }
0x41: {  	_ =	shalt  }
0x42: {  	_ =	shalt  }
0x43: {  	_ =	shalt  }
0x44: {  	_ =	shalt  }
0x45: {  	_ =	shalt  }
0x46: {  	_ =	shalt  }
0x47: {  	_ =	shalt  }
0x48: {  	_ =	shalt  }
0x49: {  	_ =	shalt  }
0x4a: {  	_ =	shalt  }
0x4b: {  	_ =	shalt  }
0x4c: {  	_ =	shalt  }
0x4d: {  	_ =	shalt  }
0x4e: {  	_ =	shalt  }
0x4f: {  	_ =	shalt  }
0x50: {  	_ =	shalt  }
0x51: {  	_ =	shalt  }
0x52: {  	_ =	shalt  }
0x53: {  	_ =	shalt  }
0x54: {  	_ =	shalt  }
0x55: {  	_ =	shalt  }
0x56: {  	_ =	shalt  }
0x57: {  	_ =	shalt  }
0x58: {  	_ =	shalt  }
0x59: {  	_ =	shalt  }
0x5a: {  	_ =	shalt  }
0x5b: {  	_ =	shalt  }
0x5c: {  	_ =	shalt  }
0x5d: {  	_ =	shalt  }
0x5e: {  	_ =	shalt  }
0x5f: {  	_ =	shalt  }
0x60: {  	_ =	shalt  }
0x61: {  	_ =	shalt  }
0x62: {  	_ =	shalt  }
0x63: {  	_ =	shalt  }
0x64: {  	_ =	shalt  }
0x65: {  	_ =	shalt  }
0x66: {  	_ =	shalt  }
0x67: {  	_ =	shalt  }
0x68: {  	_ =	shalt  }
0x69: {  	_ =	shalt  }
0x6a: {  	_ =	shalt  }
0x6b: {  	_ =	shalt  }
0x6c: {  	_ =	shalt  }
0x6d: {  	_ =	shalt  }
0x6e: {  	_ =	shalt  }
0x6f: {  	_ =	shalt  }
0x70: {  	_ =	shalt  }
0x71: {  	_ =	shalt  }
0x72: {  	_ =	shalt  }
0x73: {  	_ =	shalt  }
0x74: {  	_ =	shalt  }
0x75: {  	_ =	shalt  }
0x76: {  	_ =	shalt  }
0x77: {  	_ =	shalt  }
0x78: {  	_ =	shalt  }
0x79: {  	_ =	shalt  }
0x7a: {  	_ =	shalt  }
0x7b: {  	_ =	shalt  }
0x7c: {  	_ =	shalt  }
0x7d: {  	_ =	shalt  }
0x7e: {  	_ =	shalt  }
0x7f: {  	_ =	shalt  }
0x80: {  	_ =	shalt  }
0x81: {  	_ =	shalt  }
0x82: {  	_ =	shalt  }
0x83: {  	_ =	shalt  }
0x84: {  	_ =	shalt  }
0x85: {  	_ =	shalt  }
0x86: {  	_ =	shalt  }
0x87: {  	_ =	shalt  }
.Lfunc_end0:
.L_simem_size_0:
called_computation.1_lowered:
.L_overlay_start_0:
0x88: {  	s2 =	sld [smem:$0x3FD9]  }
0x89: {  	s3 =	sld [smem:$0x3FFE];
	_ =	sdelay $0x1  }
0x8a: {  	s1 =	srdreg.scid  }
0x8b: {  	s0 =	sand.u32 $0x1, s1  }
0x8c: {  	s17 =	sshll.u32 s0, $0xA;
	s2 =	sadd.s32 s3, s2  }
0x8d: {  	s2 =	sadd.s32 s2, s17  }
0x8e: {  	[smem:$0x3FC5] =	sst s2  }
0x8f: {  	_ = 	snop  }
0x90: {  	s2 =	sld [smem:$0x3FD0];
	(tm) =	ssettm $0x1  }
0x91: {  	s18 =	sld [smem:$0x3FFB];
	_ =	sdelay $0x3  }
0x92: {  	_ =	strace s18  }
0x93: {  	s3 =	sld [smem:$0x3FFC];
	_ =	sdelay $0x3  }
0x94: {  	_ =	strace s3  }
0x95: {  	s3 =	sld [smem:$0x3FFD];
	_ =	sdelay $0x3  }
0x96: {  	_ =	strace s3  }
0x97: {  	_ =	strace $0x8FFFFFFF  }
0x98: {  	s19 =	sld [smem:$0x3FDB];
	_ =	sdelay $0x1  }
0x99: {  	s4 =	simm.s32 $_scs_section_size  }
0x9a: {  	s5 =	simm.s32 $_size__tile_overlayer_lowered;
	s6 =	simm.s32 $_tile_overlayer_lowered  }
0x9b: {  	s22 =	simm.s32 $0x1BFF;
	s21 =	sshll.u32 s6, $0x1;
	s3 =	sadd.s32 s4, s19  }
0x9c: {  	s7 =	simm.s32 $0x0;
	s20 =	sshll.u32 s5, $0x1;
	s5 =	sadd.s32 s21, s3  }
0x9d: {  	[timem:s7], [sflag:s22] =	dma.local [hbm:s5], s20  }
0x9e: {  	_ =	swait.ge [sflag:s22], s20  }
0x9f: {  	s4 =	ssub.s32 $0x0, s20;
	[sflag:s22] =	ssyncset.done $0x0  }
0xa0: {  	[sflag:s22] =	ssyncadd.s32 s4;
	_ =	sdelay $0x1  }
0xa1: {  	s23 =	simm.s32 $0x1B8B  }
0xa2: {  	_ =	swait.ge [sflag:s23], $0x1  }
0xa3: {  	[sflag:s23] =	ssyncset.done $0x0  }
0xa4: {  	s25 =	simm.s32 $0x1B8E;
	s24 =	sld [smem:$0x3FFE];
	[sflag:s23] =	ssyncadd.s32 $0xFFFFFFFF  }
0xa5: {  	s26 =	simm.s32 $execute0_lowered;
	[smem:$0x3FD2] =	sst s25  }
0xa6: {  	s5 =	sshll.u32 s26, $0x1;
	_ =	strace $0x80000046;
	[dreg:$0x1] =	wrdreg $0xFFFFFFFF  }
0xa7: {  	s28 =	simm.s32 $_size_execute0_lowered;
	s3 =	sadd.s32 s3, s5;
	[dreg:$0x0] =	wrdreg $0x0  }
0xa8: {  	s5 =	sshll.u32 s28, $0x1;
	[dreg:$0x2] =	wrdreg s3  }
0xa9: {  	[dreg:$0x3] =	wrdreg s5  }
0xaa: {  	[dreg:$0x4] =	wrdreg $0xC0  }
0xab: {  	_ =	task [dreg:s7], $0x5FFFF  }
0xac: {  	[dreg:$0x1] =	wrdreg $0xFFFFFFFF  }
0xad: {  	[dreg:$0x0] =	wrdreg $0x60  }
0xae: {  	[dreg:$0x2] =	wrdreg s24  }
0xaf: {  	[dreg:$0x3] =	wrdreg s2  }
0xb0: {  	[dreg:$0x4] =	wrdreg $0x1E3800  }
0xb1: {  	[dreg:$0x5] =	wrdreg $0x9  }
0xb2: {  	_ =	task.clear_ibuf [dreg:s7], $0x6FFFF;
	_ =	strace $0x90000046  }
0xb3: {  	s29 =	simm.s32 $0x9;
	_ =	strace $0x80000048  }
0xb4: {  	_ =	swait.ge [sflag:s29], $0x1  }
0xb5: {  	[sflag:s29] =	ssyncadd.s32 $0xFFFFFFFF  }
0xb6: {  	_ =	strace $0x90000048  }
0xb7: {  	_ =	sfence  }
0xb8: {  	s30 =	sld [smem:$0x0];
	_ =	sdelay $0x2  }
0xb9: {  	s31 =	sshll.u32 s1, $0xD;
	s1 =	sshrl.u32 s1, $0x2  }
0xba: {  	s3 =	sand.u32 $0x4000, s31;
	s1 =	sadd.s32 s1, s30  }
0xbb: {  	s0 =	sor.u32 s3, s0;
	s1 =	sshll.u32 s1, $0x11  }
0xbc: {  	s0 =	sor.u32 s1, s0  }
0xbd: {  	s0 =	sadd.s32 $0x8F2B, s0  }
0xbe: {  	[sflag:s0] =	ssyncadd.remote.s32 $0x1  }
0xbf: {  	_ =	sfence.sel $0xFFFF  }
0xc0: {  	[dreg:$0x0] =	wrdreg $0xFFFFFFFF;
	(pc) =	sbr.abs _section_cstart, $3  }
0xc1: {  	[dreg:$0x1] =	wrdreg $0xFFFFFFFF  }
0xc2: {  	_ =	task.clear_ibuf [dreg:s7], $0x2FFFF;
	_ =	strace $0x9FFFFFFF  }
0xc3: {  	(tm) =	ssettm $0x7FFFFFFF  }
tec
execute0_lowered:
.L_overlay_start_1:
0x0: {  	(tag) =	ssettag $0x1  }
0x1: {  	s0 =	rddreg [dreg:$0x0]  }
0x2: {  	s1 =	rddreg [dreg:$0x1]  }
0x3: {  	s3 =	rddreg [dreg:$0x2];
	s2 =	simm.s32 $0x0;
	s4 =	srdreg.scid  }
0x4: {  	s6 =	stileid.u32;
	s28 =	simm.s32 $0x10200;
	s4 =	sand.u32 $0x1, s4  }
0x5: {  	s29 =	simm.s32 $0x10280;
	s30 =	simm.s32 $0x10300;
	s5 =	sshll.u32 s4, $0x4  }
0x6: {  	s31 =	simm.s32 $0x1C380;
	s15 =	sand.u32 $0x7, s6;
	s5 =	sor.u32 s6, s5  }
0x7: {  	[smem:$0x7FF] =	sst s2;
	p1 =	sne.s32 s15, $0x0;
	p0 =	seq.s32 s5, $0x0  }
0x8: {  	s7 =	sadd.s32 $0xE00, s0;
	s8 =	sadd.s32 $0x800, s0;
	p0 =	por !p1, !p0  }
0x9: {  	s16 =	sadd.s32 $0x6E00, s0;
	s6 =	simm.s32 $0x1;
	p0 =	por !p0, !p0  }
0xa: {  	_ =	strace $0x80000047;
	s5 =	sshrl.u32 s5, $0x3;
	s6 =	simm.s32 @!p0 $0x0  }
0xb: {  	s4 =	ssub.s32 $0x2, s4;
	s25 =	sshll.u32 s15, $0x7;
	s5 =	ssub.s32 s5, s6  }
0xc: {  	v0 =	vimm.s32 $0x7FFFFFFF;
	s18 =	sshll.u32 s15, $0xC;
	s19 =	sshrl.u32 s4, $0x1;
	s9 =	smul.u32 $0x3, s5  }
0xd: {  	[dreg:$0x4] =	wrdreg s15;
	(xrf0) =	vmin.scan.msk.u32 $0xffff, v0;
	s0 =	ssub.s32 s4, s19;
	s10 =	smul.u32 $0xC000, s5  }
0xe: {  	[dreg:$0x5] =	wrdreg s16;
	s0 =	smax.u32 s0, $0x1;
	s24 =	smul.u32 $0xC00, s5  }
0xf: {  	[dreg:$0x13] =	wrdreg s0;
	s6 =	simm.s32 $0x1;
	s12 =	smul.u32 $0x10C00, s5  }
0x10: {  	s20 =	sadd.s32 $0x1, s9;
	s10 =	sshrl.u32 s10, $0x3;
	s9 =	sadd.s32 $0x2, s9  }
0x11: {  	s26 =	sor.u32 s25, s24;
	s19 =	sor.u32 s25, s12;
	s25 =	sshll.u32 s5, $0x14  }
0x12: {  	s11 =	sshll.u32 s20, $0xB;
	s10 =	sadd.s32 s7, s10;
	s22 =	sshll.u32 s9, $0xB  }
0x13: {  	v0, _, _ =	vpop (xrf0);
	s4 =	sshll.u32 s20, $0x3;
	s9 =	sshll.u32 s9, $0x3;
	[dreg:$0x11] =	wrdreg s25  }
0x14: {  	(v2sf) =	vpush v0, $0xF;
	s25 =	simm.s32 $0xC100;
	[dreg:$0x6] =	wrdreg s10;
	s21 =	sand.u32 $0x1FFFF800, s11  }
0x15: {  	s23 =	sand.u32 $0x1FFFF800, s22;
	s4 =	sand.u32 $0x1FFFFF8, s4;
	s9 =	sand.u32 $0x1FFFFF8, s9  }
0x16: {  	s11 =	sshll.u32 s5, $0xF;
	s10 =	sadd.s32 s7, s21;
	s7 =	sadd.s32 s7, s23  }
0x17: {  	s4 =	sor.u32 s15, s4;
	s9 =	sor.u32 s15, s9;
	s14 =	sand.u32 $0x8000, s11  }
0x18: {  	s21 =	sshll.u32 s19, $0x2;
	s23 =	smul.u32 $0x43, s5;
	[dreg:$0x7] =	wrdreg s10  }
0x19: {  	[dreg:$0x8] =	wrdreg s7;
	s10 =	sshrl.u32 s26, $0x3;
	s4 =	sshll.u32 s4, $0x4  }
0x1a: {  	s9 =	sshll.u32 s9, $0x4;
	s17 =	sadd.s32 s14, s3;
	s22 =	sadd.s32 $0x1000, s21  }
0x1b: {  	s10 =	sadd.s32 s8, s10;
	s4 =	sadd.s32 s8, s4;
	[dreg:$0xc] =	wrdreg s17  }
0x1c: {  	s13 =	sadd.s32 s8, s9;
	s3 =	sadd.s32 s18, s17;
	[dreg:$0x9] =	wrdreg s10  }
0x1d: {  	s8 =	sand.u32 $0x1FFFFE00, s22;
	s26 =	sadd.s32 $0x3, s23;
	[dreg:$0xa] =	wrdreg s4  }
0x1e: {  	s22 =	simm.s32 $0x8000;
	s23 =	simm.s32 $0xC000;
	[dreg:$0xb] =	wrdreg s13  }
0x1f: {  	[dreg:$0xd] =	wrdreg s3;
	s4 =	sand.u32 $0x1FFFFE00, s21;
	s3 =	sadd.s32 $0x2000, s21  }
0x20: {  	s24 =	sadd.s32 s1, s8;
	[dreg:$0x12] =	wrdreg s26;
	s21 =	simm.s32 $0x4000  }
0x21: {  	s26 =	simm.s32 $0x10180;
	s4 =	sadd.s32 s1, s4;
	[dreg:$0xf] =	wrdreg s24  }
0x22: {  	s3 =	sand.u32 $0x1FFFFE00, s3;
	s24 =	simm.s32 $0xC080;
	[dreg:$0xe] =	wrdreg s4  }
0x23: {  	s3 =	sadd.s32 s1, s3;
	s4 =	simm.s32 $0x0;
	s20 =	spop (v2sf)  }
0x24: {  	v12 =	vlaneseq.u32;
	v13 =	vimm.s32 $0x0;
	[dreg:$0x10] =	wrdreg s3;
	s3 =	simm.s32 $0x10380;
	p0 =	sgt.u32 s20, $0x8000001E  }
.LBB2_1:
0x25: {  	[dreg:$0x14] =	wrdreg s4  }
0x26: {  	s0 =	rddreg [dreg:$0x6]  }
0x27: {  	[tilespmem:s2], [sflag:$0x1] =	stream.linear.gather [hbm4b:s0+s2], $0x4000, $0x38;
	[tilespmem:$0x1F380] =	vst v63  }
0x28: {  	_ =	swait.ge [sflag:s6], $0x4000  }
0x29: {  	[sflag:s6] =	ssyncset.done $0x0  }
0x2a: {  	s14 =	rddreg [dreg:$0x7];
	[sflag:s6] =	ssyncadd.s32 $0xFFFFC000  }
0x2b: {  	[tilespmem:s21], [sflag:$0x1] =	stream.linear.gather [hbm4b:s14+s2], $0x4000, $0x38;
	[tilespmem:$0x1F380] =	vst v63  }
0x2c: {  	_ =	swait.ge [sflag:s6], $0x4000  }
0x2d: {  	[sflag:s6] =	ssyncset.done $0x0  }
0x2e: {  	s17 =	rddreg [dreg:$0x8];
	[sflag:s6] =	ssyncadd.s32 $0xFFFFC000  }
0x2f: {  	[tilespmem:s22], [sflag:$0x1] =	stream.linear.gather [hbm4b:s17+s2], $0x4000, $0x38;
	[tilespmem:$0x1F380] =	vst v63  }
0x30: {  	_ =	swait.ge [sflag:s6], $0x4000  }
0x31: {  	[sflag:s6] =	ssyncset.done $0x0  }
0x32: {  	s18 =	rddreg [dreg:$0x9];
	[sflag:s6] =	ssyncadd.s32 $0xFFFFC000  }
0x33: {  	[tilespmem:s23], [sflag:$0x1] =	stream.linear.gather [hbm4b:s18+s2], $0x80, $0x38;
	[tilespmem:$0x1F380] =	vst v63  }
0x34: {  	_ =	swait.ge [sflag:s6], $0x80  }
0x35: {  	[sflag:s6] =	ssyncset.done $0x0  }
0x36: {  	s19 =	rddreg [dreg:$0xa];
	[sflag:s6] =	ssyncadd.s32 $0xFFFFFF80  }
0x37: {  	[tilespmem:s24], [sflag:$0x1] =	stream.linear.gather [hbm4b:s19+s2], $0x80, $0x38;
	[tilespmem:$0x1F380] =	vst v63  }
0x38: {  	_ =	swait.ge [sflag:s6], $0x80  }
0x39: {  	[sflag:s6] =	ssyncset.done $0x0  }
.Ltmp0:
0x3a: {  	s20 =	rddreg [dreg:$0xb];
	[sflag:s6] =	ssyncadd.s32 $0xFFFFFF80;
	(pc) =	sbr.rel .LBB2_2-.Ltmp0, $4  }
0x3b: {  	[tilespmem:s25], [sflag:$0x1] =	stream.linear.gather [hbm4b:s20+s2], $0x80, $0x38;
	[tilespmem:$0x1F380] =	vst v63  }
0x3c: {  	_ =	swait.ge [sflag:s6], $0x80  }
0x3d: {  	[sflag:s6] =	ssyncset.done $0x0  }
0x3e: {  	s7 =	simm.s32 $0x0;
	[sflag:s6] =	ssyncadd.s32 $0xFFFFFF80  }
.LBB2_12:
0x3f: {  	v19 =	vadd.s32 $0x1, v19;
	s15 =	rddreg [dreg:$0x4]  }
0x40: {  	v18 =	vadd.s32 $0x1, v17;
	v16 =	vadd.s32 $0x1, v48;
	v14 =	vadd.s32 $0x1, v15;
	s16 =	rddreg [dreg:$0x5]  }
.LBB2_13:
0x41: {  	v0 =	vld [tilespmem:$0x10180];
	_ =	sdelay $0x3  }
0x42: {  	vm0 =	vmmov $0x1  }
0x43: {  	v48 =	vnsel vm0, $0x40000000, v0  }
0x44: {  	v3 =	vmov v1;
	v1 =	vxor.u32 $0x80000000, v48  }
0x45: {  	(xrf0) =	vmin.scan.msk.u32 $0xffff, v1;
	_ =	sdelay $0x5  }
0x46: {  	v1, _, _ =	vpop (xrf0)  }
0x47: {  	(v2sf) =	vpush v1, $0xF;
	_ =	sdelay $0xe  }
0x48: {  	s0 =	spop (v2sf)  }
0x49: {  	vm1 =	vgt.s32 v19, v12;
	s0 =	sxor.u32 $0x80000000, s0  }
0x4a: {  	v0 =	vnsel vm1, s0, v0;
	_ =	sdelay $0x2  }
0x4b: {  	s4 =	sshll.u32 s7, $0x7  }
0x4c: {  	[tilespmem:s4+$0xC180] =	vst v0  }
0x4d: {  	v50 =	vld.idx.msk [tilespmem:v0+s2+$0x0], $0xffff;
	_ =	sdelay $0x4  }
0x4e: {  	v1 =	vsub.f32 v50, v49;
	_ =	sdelay $0x1  }
0x4f: {  	[tilespmem:s4+$0xD180] =	vst v1  }
0x50: {  	v1 =	vld.idx.msk [tilespmem:v0+s21+$0x0], $0xffff;
	_ =	sdelay $0x4  }
0x51: {  	v1 =	vsub.f32 v1, v52;
	_ =	sdelay $0x1  }
0x52: {  	[tilespmem:s4+$0xE180] =	vst v1  }
0x53: {  	v0 =	vld.idx.msk [tilespmem:v0+s22+$0x0], $0xffff;
	_ =	sdelay $0x4  }
0x54: {  	v0 =	vsub.f32 v0, v61;
	_ =	sdelay $0x1  }
0x55: {  	[tilespmem:s4+$0xF180] =	vst v0  }
0x56: {  	v0 =	vld [tilespmem:$0x10190];
	_ =	sdelay $0x2  }
0x57: {  	v54 =	vor.u32 $0x10, v12  }
0x58: {  	vm9 =	vgt.s32 v19, v54  }
0x59: {  	v0 =	vnsel vm9, s0, v0;
	_ =	sdelay $0x3  }
0x5a: {  	[tilespmem:s4+$0xC190] =	vst v0  }
0x5b: {  	v2 =	vld.idx.msk [tilespmem:v0+s2+$0x0], $0xffff;
	_ =	sdelay $0x4  }
0x5c: {  	v2 =	vsub.f32 v2, v49;
	_ =	sdelay $0x1  }
0x5d: {  	[tilespmem:s4+$0xD190] =	vst v2  }
0x5e: {  	v2 =	vld.idx.msk [tilespmem:v0+s21+$0x0], $0xffff;
	_ =	sdelay $0x4  }
0x5f: {  	v2 =	vsub.f32 v2, v52;
	_ =	sdelay $0x1  }
0x60: {  	[tilespmem:s4+$0xE190] =	vst v2  }
0x61: {  	v0 =	vld.idx.msk [tilespmem:v0+s22+$0x0], $0xffff;
	_ =	sdelay $0x4  }
0x62: {  	v0 =	vsub.f32 v0, v61;
	_ =	sdelay $0x1  }
0x63: {  	[tilespmem:s4+$0xF190] =	vst v0  }
0x64: {  	v0 =	vld [tilespmem:$0x10200];
	_ =	sdelay $0x4  }
0x65: {  	v56 =	vnsel vm0, $0x40000000, v0  }
0x66: {  	v2 =	vxor.u32 $0x80000000, v56  }
0x67: {  	(xrf0) =	vmin.scan.msk.u32 $0xffff, v2;
	_ =	sdelay $0x5  }
0x68: {  	v2, _, _ =	vpop (xrf0)  }
0x69: {  	(v2sf) =	vpush v2, $0xF;
	_ =	sdelay $0xe  }
0x6a: {  	s19 =	spop (v2sf)  }
0x6b: {  	vm10 =	vgt.s32 v18, v12;
	s0 =	sxor.u32 $0x80000000, s19  }
0x6c: {  	v0 =	vnsel vm10, s0, v0;
	_ =	sdelay $0x2  }
0x6d: {  	s20 =	sshll.u32 s10, $0x5  }
0x6e: {  	[tilespmem:s20+$0xC180] =	vst v0  }
0x6f: {  	v57 =	vld.idx.msk [tilespmem:v0+s2+$0x0], $0xffff;
	_ =	sdelay $0x4  }
0x70: {  	v2 =	vsub.f32 v57, v51;
	_ =	sdelay $0x1  }
0x71: {  	[tilespmem:s20+$0xD180] =	vst v2  }
0x72: {  	v2 =	vld.idx.msk [tilespmem:v0+s21+$0x0], $0xffff;
	_ =	sdelay $0x4  }
0x73: {  	v2 =	vsub.f32 v2, v3  }
0x74: {  	s5 =	sand.u32 $0xF80, s20  }
0x75: {  	[tilespmem:s5+$0xE1A0] =	vst v2  }
0x76: {  	v0 =	vld.idx.msk [tilespmem:v0+s22+$0x0], $0xffff;
	_ =	sdelay $0x4  }
0x77: {  	v0 =	vsub.f32 v0, v59;
	_ =	sdelay $0x1  }
0x78: {  	[tilespmem:s5+$0xF1A0] =	vst v0  }
0x79: {  	v0 =	vld [tilespmem:$0x10210];
	_ =	sdelay $0x3  }
0x7a: {  	vm11 =	vgt.s32 v18, v54  }
0x7b: {  	v0 =	vnsel vm11, s0, v0;
	_ =	sdelay $0x2  }
0x7c: {  	s10 =	sor.u32 $0x30, s20  }
0x7d: {  	[tilespmem:s10+$0xC180] =	vst v0  }
0x7e: {  	v2 =	vld.idx.msk [tilespmem:v0+s2+$0x0], $0xffff;
	_ =	sdelay $0x4  }
0x7f: {  	v2 =	vsub.f32 v2, v51;
	_ =	sdelay $0x1  }
0x80: {  	[tilespmem:s10+$0xD180] =	vst v2  }
0x81: {  	v2 =	vld.idx.msk [tilespmem:v0+s21+$0x0], $0xffff;
	_ =	sdelay $0x4  }
0x82: {  	v2 =	vsub.f32 v2, v3;
	_ =	sdelay $0x1  }
0x83: {  	[tilespmem:s5+$0xE1B0] =	vst v2  }
0x84: {  	v0 =	vld.idx.msk [tilespmem:v0+s22+$0x0], $0xffff;
	_ =	sdelay $0x4  }
0x85: {  	v0 =	vsub.f32 v0, v59;
	_ =	sdelay $0x1  }
0x86: {  	[tilespmem:s5+$0xF1B0] =	vst v0  }
0x87: {  	v0 =	vld [tilespmem:$0x10280];
	_ =	sdelay $0x4  }
0x88: {  	v58 =	vnsel vm0, $0x40000000, v0  }
0x89: {  	v2 =	vxor.u32 $0x80000000, v58  }
0x8a: {  	(xrf0) =	vmin.scan.msk.u32 $0xffff, v2;
	_ =	sdelay $0x5  }
0x8b: {  	v2, _, _ =	vpop (xrf0)  }
0x8c: {  	(v2sf) =	vpush v2, $0xF;
	_ =	sdelay $0xe  }
0x8d: {  	s11 =	spop (v2sf)  }
0x8e: {  	vm12 =	vgt.s32 v16, v12;
	s0 =	sxor.u32 $0x80000000, s11  }
0x8f: {  	v0 =	vnsel vm12, s0, v0;
	_ =	sdelay $0x2  }
0x90: {  	s12 =	sshll.u32 s9, $0x5  }
0x91: {  	[tilespmem:s12+$0xC180] =	vst v0  }
0x92: {  	v59 =	vld.idx.msk [tilespmem:v0+s2+$0x0], $0xffff;
	_ =	sdelay $0x4  }
0x93: {  	v2 =	vsub.f32 v59, v53;
	_ =	sdelay $0x1  }
0x94: {  	[tilespmem:s12+$0xD180] =	vst v2  }
0x95: {  	v2 =	vld.idx.msk [tilespmem:v0+s21+$0x0], $0xffff;
	_ =	sdelay $0x4  }
0x96: {  	v2 =	vsub.f32 v2, v55  }
0x97: {  	s13 =	sand.u32 $0xF80, s12  }
0x98: {  	[tilespmem:s13+$0xE1C0] =	vst v2  }
0x99: {  	v0 =	vld.idx.msk [tilespmem:v0+s22+$0x0], $0xffff;
	_ =	sdelay $0x4  }
0x9a: {  	v0 =	vsub.f32 v0, v60;
	_ =	sdelay $0x1  }
0x9b: {  	[tilespmem:s13+$0xF1C0] =	vst v0  }
0x9c: {  	v0 =	vld [tilespmem:$0x10290];
	_ =	sdelay $0x3  }
0x9d: {  	vm13 =	vgt.s32 v16, v54  }
0x9e: {  	v0 =	vnsel vm13, s0, v0;
	_ =	sdelay $0x2  }
0x9f: {  	s14 =	sor.u32 $0x50, s12  }
0xa0: {  	[tilespmem:s14+$0xC180] =	vst v0  }
0xa1: {  	v2 =	vld.idx.msk [tilespmem:v0+s2+$0x0], $0xffff;
	_ =	sdelay $0x4  }
0xa2: {  	v2 =	vsub.f32 v2, v53;
	_ =	sdelay $0x1  }
0xa3: {  	[tilespmem:s14+$0xD180] =	vst v2  }
0xa4: {  	v2 =	vld.idx.msk [tilespmem:v0+s21+$0x0], $0xffff;
	_ =	sdelay $0x4  }
0xa5: {  	v2 =	vsub.f32 v2, v55;
	_ =	sdelay $0x1  }
0xa6: {  	[tilespmem:s13+$0xE1D0] =	vst v2  }
0xa7: {  	v0 =	vld.idx.msk [tilespmem:v0+s22+$0x0], $0xffff;
	_ =	sdelay $0x4  }
0xa8: {  	v0 =	vsub.f32 v0, v60;
	_ =	sdelay $0x1  }
0xa9: {  	[tilespmem:s13+$0xF1D0] =	vst v0  }
0xaa: {  	v0 =	vld [tilespmem:$0x10300];
	_ =	sdelay $0x4  }
0xab: {  	v61 =	vnsel vm0, $0x40000000, v0  }
0xac: {  	v2 =	vxor.u32 $0x80000000, v61  }
0xad: {  	(xrf0) =	vmin.scan.msk.u32 $0xffff, v2;
	_ =	sdelay $0x5  }
0xae: {  	v2, _, _ =	vpop (xrf0)  }
0xaf: {  	(v2sf) =	vpush v2, $0xF;
	_ =	sdelay $0xe  }
0xb0: {  	s17 =	spop (v2sf)  }
0xb1: {  	vm14 =	vgt.s32 v14, v12;
	s0 =	sxor.u32 $0x80000000, s17  }
0xb2: {  	v0 =	vnsel vm14, s0, v0;
	_ =	sdelay $0x2  }
0xb3: {  	s18 =	sshll.u32 s8, $0x5  }
0xb4: {  	[tilespmem:s18+$0xC180] =	vst v0  }
0xb5: {  	v62 =	vld.idx.msk [tilespmem:v0+s2+$0x0], $0xffff;
	_ =	sdelay $0x4  }
0xb6: {  	v2 =	vsub.f32 v62, v11;
	_ =	sdelay $0x1  }
0xb7: {  	[tilespmem:s18+$0xD180] =	vst v2  }
0xb8: {  	v2 =	vld.idx.msk [tilespmem:v0+s21+$0x0], $0xffff;
	_ =	sdelay $0x4  }
0xb9: {  	v2 =	vsub.f32 v2, v10  }
0xba: {  	s19 =	sand.u32 $0xF80, s18  }
0xbb: {  	[tilespmem:s19+$0xE1E0] =	vst v2  }
0xbc: {  	v0 =	vld.idx.msk [tilespmem:v0+s22+$0x0], $0xffff;
	_ =	sdelay $0x4  }
0xbd: {  	v0 =	vsub.f32 v0, v9;
	_ =	sdelay $0x1  }
0xbe: {  	[tilespmem:s19+$0xF1E0] =	vst v0  }
0xbf: {  	v0 =	vld [tilespmem:$0x10310];
	_ =	sdelay $0x3  }
0xc0: {  	vm15 =	vgt.s32 v14, v54  }
0xc1: {  	v0 =	vnsel vm15, s0, v0;
	_ =	sdelay $0x2  }
0xc2: {  	s20 =	sor.u32 $0x70, s18  }
0xc3: {  	[tilespmem:s20+$0xC180] =	vst v0  }
0xc4: {  	v63 =	vld.idx.msk [tilespmem:v0+s2+$0x0], $0xffff;
	_ =	sdelay $0x4  }
0xc5: {  	v1 =	vsub.f32 v63, v11;
	_ =	sdelay $0x1  }
0xc6: {  	[tilespmem:s20+$0xD180] =	vst v1  }
0xc7: {  	v1 =	vld.idx.msk [tilespmem:v0+s21+$0x0], $0xffff;
	_ =	sdelay $0x4  }
0xc8: {  	v1 =	vsub.f32 v1, v10;
	_ =	sdelay $0x1  }
0xc9: {  	[tilespmem:s19+$0xE1F0] =	vst v1  }
0xca: {  	v0 =	vld.idx.msk [tilespmem:v0+s22+$0x0], $0xffff  }
0xcb: {  	s7 =	sadd.s32 $0x1, s7  }
0xcc: {  	p1 =	sne.s32 s7, $0x20  }
.Ltmp1:
0xcd: {  	_ = 	snop;
	(pc) =	sbr.rel @!p1 .LBB2_14-.Ltmp1, $3  }
0xce: {  	_ = 	snop  }
0xcf: {  	v0 =	vsub.f32 v0, v9;
	_ =	sdelay $0x1  }
0xd0: {  	[tilespmem:s19+$0xF1F0] =	vst v0  }
.LBB2_2:
0xd1: {  	s0 =	sshll.u32 s7, $0x2  }
0xd2: {  	v2 =	vmov s0  }
0xd3: {  	v2 =	vbroadcast v2, $0x0;
	_ =	sdelay $0x2  }
0xd4: {  	s10 =	sor.u32 $0x1, s0  }
0xd5: {  	v3 =	vmov s10  }
0xd6: {  	v3 =	vbroadcast v3, $0x0  }
0xd7: {  	s9 =	sor.u32 $0x2, s0;
	v49 =	vld.idx.msk [tilespmem:v2+s23+$0x0], $0xffff  }
0xd8: {  	v4 =	vmov s9;
	v52 =	vld.idx.msk [tilespmem:v2+s24+$0x0], $0xffff  }
0xd9: {  	v61 =	vld.idx.msk [tilespmem:v2+s25+$0x0], $0xffff;
	v2 =	vbroadcast v4, $0x0  }
0xda: {  	v19 =	vimm.s32 $0x0  }
0xdb: {  	[tilespmem:$0x10180] =	vst v19  }
0xdc: {  	s8 =	sshllo.u32 s7, $0x2;
	v51 =	vld.idx.msk [tilespmem:v3+s23+$0x0], $0xffff  }
0xdd: {  	v14 =	vmov s8;
	v1 =	vld.idx.msk [tilespmem:v3+s24+$0x0], $0xffff  }
0xde: {  	v59 =	vld.idx.msk [tilespmem:v3+s25+$0x0], $0xffff;
	[tilespmem:$0x10200] =	vst v19  }
0xdf: {  	v53 =	vld.idx.msk [tilespmem:v2+s23+$0x0], $0xffff  }
.Ltmp2:
0xe0: {  	v55 =	vld.idx.msk [tilespmem:v2+s24+$0x0], $0xffff;
	(pc) =	sbr.rel @p0 .LBB2_13-.Ltmp2, $4  }
0xe1: {  	v60 =	vld.idx.msk [tilespmem:v2+s25+$0x0], $0xffff;
	[tilespmem:$0x10280] =	vst v19  }
0xe2: {  	v11 =	vld.idx.msk [tilespmem:v14+s23+$0x0], $0xffff  }
0xe3: {  	v10 =	vld.idx.msk [tilespmem:v14+s24+$0x0], $0xffff  }
0xe4: {  	v18 =	vimm.s32 $0x0;
	v16 =	vimm.s32 $0x0;
	v9 =	vld.idx.msk [tilespmem:v14+s25+$0x0], $0xffff;
	[tilespmem:$0x10300] =	vst v19;
	v14 =	vimm.s32 $0x0  }
0xe5: {  	[tilespmem:$0x1FF50] =	vst v1  }
0xe6: {  	[tilespmem:$0x1FF70] =	vst v59  }
0xe7: {  	[tilespmem:$0x1FF80] =	vst v61  }
0xe8: {  	[tilespmem:$0x1FF90] =	vst v49  }
0xe9: {  	[tilespmem:$0x1FFA0] =	vst v51  }
0xea: {  	[tilespmem:$0x1FFB0] =	vst v52  }
0xeb: {  	[tilespmem:$0x1FFC0] =	vst v53  }
0xec: {  	[tilespmem:$0x1FFD0] =	vst v55  }
0xed: {  	[tilespmem:$0x1FF60] =	vst v60  }
0xee: {  	s16 =	simm.s32 $0x0;
	v15 =	vimm.s32 $0xFFFFFFFF;
	s11 =	simm.s32 $0x30;
	[tilespmem:$0x1FFE0] =	vst v11  }
0xef: {  	s12 =	simm.s32 $0x20;
	s14 =	simm.s32 $0x4020;
	s15 =	simm.s32 $0x8020;
	v48 =	vimm.s32 $0xFFFFFFFF;
	v17 =	vimm.s32 $0xFFFFFFFF;
	v19 =	vimm.s32 $0xFFFFFFFF;
	[tilespmem:$0x1FFF0] =	vst v10  }
.LBB2_5:
0xf0: {  	v14 =	vld [tilespmem:s15+$0xFFFFFFE0];
	_ =	sdelay $0x1  }
0xf1: {  	v16 =	vld [tilespmem:s12+$0xFFFFFFE0]  }
0xf2: {  	v20 =	vld [tilespmem:s14+$0xFFFFFFE0];
	_ =	sdelay $0x1  }
0xf3: {  	v21 =	vsub.f32 v61, v14  }
0xf4: {  	v24 =	vld [tilespmem:s12+$0xFFFFFFF0];
	v22 =	vsub.f32 v59, v14;
	v23 =	vsub.f32 v60, v14  }
0xf5: {  	v26 =	vld [tilespmem:s14+$0xFFFFFFF0];
	v14 =	vsub.f32 v9, v14;
	v25 =	vsub.f32 v49, v16  }
0xf6: {  	v27 =	vsub.f32 v52, v20;
	v28 =	vsub.f32 v51, v16  }
0xf7: {  	v29 =	vsub.f32 v1, v20;
	v30 =	vsub.f32 v53, v16  }
0xf8: {  	v31 =	vsub.f32 v55, v20;
	v16 =	vsub.f32 v11, v16  }
0xf9: {  	v20 =	vsub.f32 v10, v20;
	v33 =	vsub.f32 v49, v24  }
0xfa: {  	v32 =	vld [tilespmem:s12+$0x0];
	v35 =	vsub.f32 v52, v26;
	v36 =	vsub.f32 v51, v24  }
0xfb: {  	v34 =	vld [tilespmem:s14+$0x0];
	v0 =	vimm.s32 $0x0;
	v37 =	vsub.f32 v1, v26;
	v38 =	vsub.f32 v53, v24  }
0xfc: {  	v39 =	vsub.f32 v55, v26;
	v25 =	vmul.f32 v25, v25;
	v27 =	vmul.f32 v27, v27  }
0xfd: {  	v24 =	vsub.f32 v11, v24;
	v28 =	vmul.f32 v28, v28;
	v29 =	vmul.f32 v29, v29  }
0xfe: {  	v4 =	vld [tilespmem:s15+$0xFFFFFFF0];
	v26 =	vsub.f32 v10, v26;
	v30 =	vmul.f32 v30, v30;
	v31 =	vmul.f32 v31, v31  }
0xff: {  	v40 =	vsub.f32 v49, v32;
	v16 =	vmul.f32 v16, v16;
	v20 =	vmul.f32 v20, v20  }
0x100: {  	v41 =	vsub.f32 v52, v34;
	v33 =	vmul.f32 v33, v33;
	v35 =	vmul.f32 v35, v35  }
0x101: {  	v42 =	vsub.f32 v51, v32;
	v36 =	vmul.f32 v36, v36;
	v37 =	vmul.f32 v37, v37  }
0x102: {  	v57 =	vsub.f32 v55, v34;
	v38 =	vmul.f32 v38, v38;
	v39 =	vmul.f32 v39, v39  }
0x103: {  	v45 =	vsub.f32 v61, v4;
	v24 =	vmul.f32 v24, v24;
	v26 =	vmul.f32 v26, v26  }
0x104: {  	v46 =	vsub.f32 v59, v4;
	v40 =	vmul.f32 v40, v40;
	v41 =	vmul.f32 v41, v41  }
0x105: {  	v42 =	vmul.f32 v42, v42;
	v25 =	vadd.f32 v27, v25;
	v27 =	vsub.f32 v1, v34  }
0x106: {  	v21 =	vmul.f32 v21, v21;
	v28 =	vadd.f32 v29, v28;
	v30 =	vadd.f32 v31, v30  }
0x107: {  	v7 =	vld [tilespmem:s15+$0x0];
	v22 =	vmul.f32 v22, v22;
	v31 =	vsub.f32 v53, v32;
	v16 =	vadd.f32 v20, v16  }
0x108: {  	v23 =	vmul.f32 v23, v23;
	v33 =	vadd.f32 v35, v33;
	v32 =	vsub.f32 v11, v32  }
0x109: {  	v14 =	vmul.f32 v14, v14;
	v34 =	vsub.f32 v10, v34;
	v36 =	vadd.f32 v37, v36  }
0x10a: {  	v38 =	vadd.f32 v39, v38;
	v24 =	vadd.f32 v26, v24;
	v35 =	vmul.f32 v57, v57  }
0x10b: {  	v40 =	vadd.f32 v41, v40;
	v27 =	vmul.f32 v27, v27;
	v21 =	vadd.f32 v21, v25  }
0x10c: {  	v29 =	vld [tilespmem:s12+$0x10];
	v31 =	vmul.f32 v31, v31;
	v22 =	vadd.f32 v22, v28;
	v28 =	vsub.f32 v61, v7  }
0x10d: {  	v20 =	vld [tilespmem:s14+$0x10];
	v32 =	vmul.f32 v32, v32;
	v23 =	vadd.f32 v23, v30;
	v30 =	vsub.f32 v59, v7  }
0x10e: {  	v34 =	vmul.f32 v34, v34;
	v14 =	vadd.f32 v14, v16;
	v16 =	vsub.f32 v60, v7  }
0x10f: {  	v2 =	vimm.s32 $0x0;
	v27 =	vadd.f32 v27, v42;
	v31 =	vadd.f32 v35, v31  }
0x110: {  	v32 =	vadd.f32 v34, v32;
	v35 =	vsub.f32 v9, v4;
	v28 =	vmul.f32 v28, v28  }
0x111: {  	v30 =	vmul.f32 v30, v30;
	v16 =	vmul.f32 v16, v16;
	vm2 =	vlt.f32 v21, $9.999999770e-03  }
0x112: {  	vm13 =	vlt.f32 v22, $9.999999770e-03;
	v58 =	vsub.f32 v49, v29;
	v62 =	vsub.f32 v52, v20  }
0x113: {  	vm11 =	vlt.f32 v23, $9.999999770e-03;
	v26 =	vsub.f32 v51, v29;
	v63 =	vsub.f32 v1, v20  }
0x114: {  	vm9 =	vlt.f32 v14, $9.999999770e-03;
	v5 =	vsub.f32 v53, v29;
	v6 =	vsub.f32 v55, v20  }
0x115: {  	v25 =	vld [tilespmem:s15+$0x10];
	v29 =	vsub.f32 v11, v29;
	v20 =	vsub.f32 v10, v20;
	v22 =	vsel vm2, $0x1, v13  }
0x116: {  	v23 =	vsel vm13, $0x1, v13;
	v57 =	vmpcnt.ones.xlane vm11;
	v0 =	vsel vm9, $0xFFFFFFFF, v0  }
0x117: {  	v35 =	vmul.f32 v35, v35;
	v28 =	vadd.f32 v28, v40;
	v37 =	vmul.f32 v58, v58  }
0x118: {  	v27 =	vadd.f32 v30, v27;
	v39 =	vmul.f32 v62, v62;
	v26 =	vmul.f32 v26, v26  }
0x119: {  	v16 =	vadd.f32 v16, v31;
	v41 =	vmul.f32 v63, v63;
	v42 =	vmul.f32 v5, v5  }
0x11a: {  	v34 =	vmul.f32 v6, v6;
	v29 =	vmul.f32 v29, v29;
	v47 =	vsub.f32 v61, v25  }
0x11b: {  	v20 =	vmul.f32 v20, v20;
	v50 =	vsub.f32 v59, v25;
	v54 =	vsub.f32 v60, v25  }
0x11c: {  	v25 =	vsub.f32 v9, v25;
	v58 =	vmpcnt.ones.xlane vm9;
	v35 =	vadd.f32 v35, v24  }
0x11d: {  	vm6 =	vlt.f32 v28, $9.999999770e-03;
	v37 =	vadd.f32 v39, v37;
	v26 =	vadd.f32 v41, v26  }
0x11e: {  	vm15 =	vlt.f32 v27, $9.999999770e-03;
	v34 =	vadd.f32 v34, v42;
	v20 =	vadd.f32 v20, v29  }
0x11f: {  	v29 =	vsub.f32 v60, v4;
	v41 =	vmul.f32 v45, v45;
	v42 =	vmul.f32 v46, v46  }
0x120: {  	v39 =	vsub.f32 v9, v7;
	v24 =	vmul.f32 v50, v50;
	v30 =	vmul.f32 v54, v54  }
0x121: {  	vm12 =	vlt.f32 v16, $9.999999770e-03;
	v21 =	vmul.f32 v25, v25;
	v29 =	vmul.f32 v29, v29  }
0x122: {  	v33 =	vadd.f32 v41, v33;
	v36 =	vadd.f32 v42, v36;
	v39 =	vmul.f32 v39, v39  }
0x123: {  	(xrf0) =	vadd.scan.msk.s32 $0xffff, v22;
	v41 =	vmul.f32 v47, v47;
	v22 =	vadd.f32 v24, v26;
	v24 =	vadd.f32 v30, v34  }
0x124: {  	(xrf0) =	vadd.scan.msk.s32 $0xffff, v23;
	v26 =	vsel vm11, $0x1, v13;
	v20 =	vadd.f32 v21, v20;
	v29 =	vadd.f32 v29, v38  }
0x125: {  	(xrf0) =	vadd.scan.msk.s32 $0xffff, v26;
	v26 =	vmpcnt.ones.xlane vm6;
	v31 =	vadd.f32 v39, v32;
	v25 =	vadd.f32 v41, v37  }
0x126: {  	vm8 =	vlt.f32 v33, $9.999999770e-03;
	vm10 =	vlt.f32 v36, $9.999999770e-03;
	vm4 =	vlt.f32 v22, $9.999999770e-03  }
0x127: {  	vm1 =	vlt.f32 v24, $9.999999770e-03;
	vm0 =	vlt.f32 v20, $9.999999770e-03;
	v22 =	vmpcnt.ones.xlane vm2  }
0x128: {  	v41 =	vadd.s32 v48, v57;
	v21 =	vmpcnt.ones.xlane vm4;
	v23 =	vmpcnt.ones.xlane vm1  }
0x129: {  	v38 =	vadd.s32 v15, v58;
	v27 =	vmpcnt.ones.xlane vm0;
	v28 =	vmpcnt.ones.xlane vm8  }
0x12a: {  	v63 =	vmovc v15;
	v56 =	vmpcnt.ones.xlane vm10;
	v2 =	vsel vm8, $0xFFFFFFFF, v2;
	v15 =	vsel vm8, $0x1, v13  }
0x12b: {  	v43 =	vsel vm4, $0x1, v13;
	v40 =	vsel vm1, $0x1, v13;
	v36 =	vsel vm0, $0x1, v13  }
0x12c: {  	vm7 =	vlt.f32 v29, $9.999999770e-03;
	vm14 =	vlt.f32 v25, $9.999999770e-03;
	v20, _, _ =	vpop (xrf0);
	v29 =	vmpcnt.ones.xlane vm15  }
0x12d: {  	[tilespmem:$0x1FF10] =	vst v2;
	v2 =	vimm.s32 $0x0;
	v14 =	vmpcnt.ones.xlane vm14;
	v20 =	vadd.s32 v19, v20  }
0x12e: {  	v16, _, _ =	vpop (xrf0);
	vm8 =	vmmov vm7;
	v2 =	vsel vm10, $0xFFFFFFFF, v2;
	v44 =	vsel vm14, $0x1, v13  }
0x12f: {  	vm3 =	vlt.s32 v20, $0x2F;
	v16 =	vadd.s32 v17, v16;
	[tilespmem:$0x1FF20] =	vst v2;
	v2 =	vimm.s32 $0x0  }
0x130: {  	v24, _, _ =	vpop (xrf0);
	v25 =	vnsel vm3, $0x2F, v20;
	vm3 =	vlt.s32 v16, $0x2F;
	v2 =	vsel vm6, $0xFFFFFFFF, v2  }
0x131: {  	v30 =	vadd.s32 v48, v24;
	v24 =	vnsel vm3, $0x2F, v16;
	vm3 =	vmmov vm13  }
0x132: {  	vm13 =	vlt.f32 v31, $9.999999770e-03;
	v16 =	vmpcnt.ones.xlane vm12;
	v31 =	vadd.s32 v19, v22  }
0x133: {  	[tilespmem:$0x1FF30] =	vst v2;
	v2 =	vimm.s32 $0x0;
	vm5 =	vlt.s32 v30, $0x2F;
	v22 =	vmpcnt.ones.xlane vm3  }
0x134: {  	v34 =	vadd.s32 v31, v28;
	v2 =	vsel vm14, $0xFFFFFFFF, v2;
	vm14 =	vmmov vm1  }
0x135: {  	v20 =	vnsel vm5, $0x2F, v30;
	vm5 =	vlt.f32 v35, $9.999999770e-03;
	v30 =	vmpcnt.ones.xlane vm13  }
0x136: {  	[tilespmem:$0x1FF00] =	vst v0;
	v28 =	vadd.s32 v34, v26;
	v26 =	vmpcnt.ones.xlane vm7;
	v62 =	vmpcnt.ones.xlane vm5  }
0x137: {  	[tilespmem:$0x1FF40] =	vst v2;
	v19 =	vadd.s32 v28, v14;
	v42 =	vadd.s32 v17, v22;
	v14 =	vsel vm9, $0x1, v13  }
0x138: {  	vm9 =	vmmov vm12;
	v35 =	vadd.s32 v42, v56;
	v33 =	vadd.s32 v41, v26;
	(xrf0) =	vadd.scan.msk.s32 $0xffff, v14  }
0x139: {  	s0 =	sshll.u32 s16, $0x6;
	v14 =	vsel vm10, $0x1, v13;
	v32 =	vadd.s32 v38, v62;
	v29 =	vadd.s32 v35, v29;
	(xrf0) =	vadd.scan.msk.s32 $0xffff, v15  }
0x13a: {  	s17 =	sadd.s32 $0x40, s0;
	s4 =	sadd.s32 $0x4, s0;
	v26 =	vadd.s32 v33, v16;
	v16 =	vsel vm7, $0x1, v13;
	v0 =	vadd.s32 v32, v30;
	(xrf0) =	vadd.scan.msk.s32 $0xffff, v14  }
0x13b: {  	p2 =	slt.u32 s4, s17;
	v17 =	vadd.s32 v29, v21;
	v48 =	vadd.s32 v26, v23;
	v21 =	vsel vm5, $0x1, v13;
	(xrf0) =	vadd.scan.msk.s32 $0xffff, v16  }
.Ltmp3:
0x13c: {  	v14 =	vsel vm6, $0x1, v13;
	vm6 =	vmmov vm15;
	v23 =	vsel vm15, $0x1, v13;
	(xrf0) =	vadd.scan.msk.s32 $0xffff, v21;
	(pc) =	sbr.rel @!p2 .LBB2_6-.Ltmp3, $4  }
0x13d: {  	s19 =	sadd.s32 $0xFFFFFFD0, s11;
	v30 =	vsel vm12, $0x1, v13;
	vm15 =	vmmov vm4;
	vm4 =	vmmov vm0;
	(xrf0) =	vadd.scan.msk.s32 $0xffff, v14  }
0x13e: {  	s5 =	sadd.s32 $0xFFFFFFE0, s11;
	v15 =	vadd.s32 v0, v27;
	v16 =	vsel vm13, $0x1, v13;
	v27 =	vor.u32 s19, v12;
	v21, _, _ =	vpop (xrf0);
	(xrf0) =	vadd.scan.msk.s32 $0xffff, v23  }
0x13f: {  	s20 =	sadd.s32 $0xFFFFFFF0, s11;
	v14 =	vor.u32 s11, v12;
	v39 =	vadd.s32 v63, v21;
	v23, _, _ =	vpop (xrf0);
	(xrf0) =	vadd.scan.msk.s32 $0xffff, v30;
	v21 =	vor.u32 s5, v12  }
0x140: {  	p1 =	por $0x0, $0x0;
	s5 =	sadd.s32 $0x40, s15;
	v46 =	vadd.s32 v31, v23;
	v47, _, _ =	vpop (xrf0);
	(xrf0) =	vadd.scan.msk.s32 $0xffff, v16;
	v16 =	vor.u32 s20, v12;
	vm1 =	vlt.s32 v39, $0x2F  }
0x141: {  	v30 =	vld [tilespmem:s5+$0xFFFFFFE0];
	s20 =	sadd.s32 $0x40, s12  }
0x142: {  	v23 =	vnsel vm1, $0x2F, v39;
	v31 =	vadd.s32 v42, v47;
	v37, _, _ =	vpop (xrf0);
	s13 =	sadd.s32 $0x40, s14;
	vm0 =	vlt.s32 v46, $0x2F;
	v45 =	vld [tilespmem:s20+$0xFFFFFFE0]  }
0x143: {  	v42 =	vnsel vm0, $0x2F, v46;
	v37 =	vadd.s32 v41, v37;
	v62, _, _ =	vpop (xrf0);
	v63 =	vld [tilespmem:s13+$0xFFFFFFE0];
	vm0 =	vlt.s32 v31, $0x2F  }
0x144: {  	v39 =	vnsel vm0, $0x2F, v31;
	v31 =	vadd.s32 v38, v62;
	vm0 =	vlt.s32 v37, $0x2F  }
0x145: {  	v4, _, _ =	vpop (xrf0);
	v38 =	vnsel vm0, $0x2F, v37;
	vm0 =	vlt.s32 v31, $0x2F  }
0x146: {  	v8 =	vmovc v48;
	v2 =	vmovc v49;
	v41 =	vld [tilespmem:s20+$0xFFFFFFF0];
	v34 =	vadd.s32 v34, v4;
	v37 =	vnsel vm0, $0x2F, v31;
	v31 =	vsub.f32 v61, v30  }
0x147: {  	v50 =	vld [tilespmem:s13+$0xFFFFFFF0];
	v5, _, _ =	vpop (xrf0);
	vm0 =	vlt.s32 v34, $0x2F;
	v48 =	vsub.f32 v59, v30;
	v49 =	vsub.f32 v49, v45  }
0x148: {  	v3 =	vmovc v51;
	v35 =	vadd.s32 v35, v5;
	v47 =	vsub.f32 v52, v63;
	v51 =	vsub.f32 v51, v45  }
0x149: {  	v4 =	vmovc v52;
	v5 =	vmovc v53;
	v34 =	vnsel vm0, $0x2F, v34;
	v52 =	vsub.f32 v1, v63;
	v53 =	vsub.f32 v53, v45  }
0x14a: {  	v54, _, _ =	vpop (xrf0);
	vm0 =	vlt.s32 v35, $0x2F;
	v7 =	vsub.f32 v55, v63;
	v45 =	vsub.f32 v11, v45  }
0x14b: {  	v56 =	vld [tilespmem:s20+$0x0];
	v33 =	vadd.s32 v33, v54;
	v46 =	vsub.f32 v10, v63;
	v54 =	vsub.f32 v2, v41  }
0x14c: {  	v6 =	vmovc v55;
	v35 =	vnsel vm0, $0x2F, v35;
	v57 =	vsub.f32 v4, v50;
	v58 =	vsub.f32 v3, v41  }
0x14d: {  	v60, _, _ =	vpop (xrf0);
	vm0 =	vlt.s32 v33, $0x2F;
	v61 =	vsub.f32 v1, v50;
	v62 =	vsub.f32 v5, v41  }
0x14e: {  	v32 =	vadd.s32 v32, v60;
	v60 =	vsub.f32 v6, v50;
	v41 =	vsub.f32 v11, v41  }
0x14f: {  	(xrf0) =	vadd.scan.msk.s32 $0xffff, v44;
	v44 =	vsub.f32 v10, v50;
	v31 =	vmul.f32 v31, v31;
	v48 =	vmul.f32 v48, v48  }
0x150: {  	v59 =	vld [tilespmem:s13+$0x0];
	v50 =	vsub.f32 v2, v56;
	v49 =	vmul.f32 v49, v49;
	v47 =	vmul.f32 v47, v47  }
0x151: {  	v63 =	vsub.f32 v3, v56;
	v51 =	vmul.f32 v51, v51;
	v52 =	vmul.f32 v52, v52  }
0x152: {  	v33 =	vnsel vm0, $0x2F, v33;
	v53 =	vmul.f32 v53, v53;
	v55 =	vmul.f32 v7, v7  }
0x153: {  	vm0 =	vlt.s32 v32, $0x2F;
	v45 =	vmul.f32 v45, v45;
	v46 =	vmul.f32 v46, v46  }
0x154: {  	(xrf0) =	vadd.scan.msk.s32 $0xffff, v43;
	v54 =	vmul.f32 v54, v54;
	v57 =	vmul.f32 v57, v57;
	v32 =	vnsel vm0, $0x2F, v32  }
0x155: {  	v58 =	vmul.f32 v58, v58;
	v43 =	vsub.f32 v4, v59;
	v7 =	vmovc v15;
	v15 =	vsub.f32 v1, v59  }
0x156: {  	v61 =	vmul.f32 v61, v61;
	v47 =	vadd.f32 v47, v49;
	v49 =	vadd.f32 v52, v51  }
0x157: {  	v41 =	vmul.f32 v41, v41;
	v53 =	vadd.f32 v55, v53;
	v55 =	vsub.f32 v5, v56  }
0x158: {  	v44 =	vmul.f32 v44, v44;
	v45 =	vadd.f32 v46, v45;
	v46 =	vadd.f32 v57, v54  }
0x159: {  	v50 =	vmul.f32 v50, v50;
	v52 =	vld [tilespmem:s20+$0x10];
	v57 =	vsub.f32 v6, v59;
	v58 =	vadd.f32 v61, v58  }
0x15a: {  	v54 =	vld [tilespmem:s13+$0x10];
	v41 =	vadd.f32 v44, v41;
	v51, _, _ =	vpop (xrf0);
	v43 =	vmul.f32 v43, v43;
	v55 =	vmul.f32 v55, v55  }
0x15b: {  	v57 =	vmul.f32 v57, v57;
	v31 =	vadd.f32 v31, v47;
	v28 =	vadd.s32 v28, v51;
	v51, _, _ =	vpop (xrf0)  }
0x15c: {  	v29 =	vadd.s32 v29, v51;
	v51 =	vsub.f32 v11, v56;
	v56 =	vsub.f32 v10, v59  }
0x15d: {  	(xrf0) =	vadd.scan.msk.s32 $0xffff, v40;
	v40 =	vmul.f32 v62, v62;
	v43 =	vadd.f32 v43, v50;
	v50 =	vadd.f32 v57, v55  }
0x15e: {  	v59 =	vmul.f32 v60, v60;
	v60 =	vsub.f32 v2, v52;
	v44 =	vsub.f32 v3, v52  }
0x15f: {  	v15 =	vmul.f32 v15, v15;
	v61 =	vsub.f32 v1, v54;
	v55 =	vsub.f32 v5, v52  }
0x160: {  	v40 =	vadd.f32 v59, v40;
	v59 =	vsub.f32 v4, v54;
	v4 =	vmul.f32 v63, v63  }
0x161: {  	v5 =	vsub.f32 v6, v54;
	v51 =	vmul.f32 v51, v51;
	v56 =	vmul.f32 v56, v56  }
0x162: {  	(xrf0) =	vadd.scan.msk.s32 $0xffff, v36;
	v62 =	vld [tilespmem:s5+$0x0];
	v52 =	vsub.f32 v11, v52;
	v36 =	vmul.f32 v60, v60;
	v44 =	vmul.f32 v44, v44  }
0x163: {  	v54 =	vsub.f32 v10, v54;
	v60 =	vld [tilespmem:$0x1FF60];
	v6 =	vmul.f32 v61, v61;
	v55 =	vmul.f32 v55, v55  }
0x164: {  	v61 =	vld [tilespmem:$0x1FF80];
	v52 =	vmul.f32 v52, v52;
	v51 =	vadd.f32 v56, v51;
	v56 =	vmul.f32 v5, v5  }
0x165: {  	v15 =	vadd.f32 v15, v4;
	v54 =	vmul.f32 v54, v54;
	v44 =	vadd.f32 v6, v44  }
0x166: {  	v57 =	vld [tilespmem:s5+$0xFFFFFFF0];
	vm0 =	vlt.s32 v28, $0x2F;
	v6 =	vadd.f32 v48, v49;
	v4, _, _ =	vpop (xrf0);
	v55 =	vadd.f32 v56, v55  }
0x167: {  	v52 =	vadd.f32 v54, v52;
	v26 =	vadd.s32 v26, v4;
	v4 =	vmul.f32 v59, v59  }
0x168: {  	vm1 =	vlt.f32 v31, $9.999999770e-03;
	v59 =	vld [tilespmem:$0x1FF70];
	[tilespmem:v25+s26+$0x0] =	vst.idx.msk vm2, v27;
	v63 =	vsub.f32 v60, v30;
	v30 =	vsub.f32 v9, v30  }
0x169: {  	[tilespmem:v24+s28+$0x0] =	vst.idx.msk vm3, v27;
	v24 =	vsub.f32 v61, v62;
	vm3 =	vlt.f32 v6, $9.999999770e-03;
	v6 =	vsub.f32 v9, v62  }
0x16a: {  	v36 =	vadd.f32 v4, v36;
	[tilespmem:v20+s29+$0x0] =	vst.idx.msk vm11, v27;
	v20 =	vsel vm3, $0x1, v13;
	v25 =	vmul.f32 v30, v30  }
0x16b: {  	v5 =	vmul.f32 v63, v63;
	v30 =	vsub.f32 v61, v57;
	v24 =	vmul.f32 v24, v24;
	v4, _, _ =	vpop (xrf0)  }
0x16c: {  	v22 =	vadd.s32 v0, v4;
	v45 =	vadd.f32 v25, v45;
	v25 =	vsel vm1, $0x1, v13  }
0x16d: {  	v63 =	vadd.f32 v5, v53;
	v53 =	vnsel vm0, $0x2F, v28;
	(xrf0) =	vadd.scan.msk.s32 $0xffff, v25;
	v25 =	vsub.f32 v60, v57  }
0x16e: {  	v28 =	vsub.f32 v59, v57;
	v4 =	vsub.f32 v9, v57;
	vm0 =	vlt.s32 v29, $0x2F  }
0x16f: {  	v56 =	vnsel vm0, $0x2F, v29;
	vm0 =	vlt.s32 v26, $0x2F;
	v25 =	vmul.f32 v25, v25  }
0x170: {  	v30 =	vmul.f32 v30, v30;
	v31 =	vnsel vm0, $0x2F, v26;
	(xrf0) =	vadd.scan.msk.s32 $0xffff, v20;
	v20 =	vld [tilespmem:s5+$0x10];
	vm10 =	vlt.f32 v63, $9.999999770e-03  }
0x171: {  	v26 =	vmul.f32 v28, v28;
	v28 =	vadd.f32 v25, v40;
	v25 =	vsel vm10, $0x1, v13  }
0x172: {  	v43 =	vadd.f32 v24, v43;
	v29 =	vsub.f32 v59, v62;
	vm0 =	vlt.s32 v22, $0x2F;
	(xrf0) =	vadd.scan.msk.s32 $0xffff, v25  }
0x173: {  	v46 =	vadd.f32 v30, v46;
	v54 =	vmul.f32 v4, v4;
	v30 =	vnsel vm0, $0x2F, v22  }
0x174: {  	v22 =	vsub.f32 v60, v62;
	v29 =	vmul.f32 v29, v29;
	v26 =	vadd.f32 v26, v58  }
0x175: {  	v40 =	vadd.f32 v54, v41;
	v5, _, _ =	vpop (xrf0);
	v57 =	vsub.f32 v61, v20  }
0x176: {  	v0 =	vld [tilespmem:$0x1FF10];
	v15 =	vadd.f32 v29, v15;
	v29 =	vsub.f32 v59, v20;
	v25 =	vadd.s32 v19, v5  }
0x177: {  	v58 =	vsub.f32 v60, v20;
	v24, _, _ =	vpop (xrf0);
	vm0 =	vlt.s32 v25, $0x2F;
	v41 =	vmul.f32 v57, v57  }
0x178: {  	v20 =	vsub.f32 v9, v20;
	v24 =	vadd.s32 v17, v24;
	v25 =	vnsel vm0, $0x2F, v25;
	v62, _, _ =	vpop (xrf0)  }
0x179: {  	vm0 =	vlt.s32 v24, $0x2F;
	v36 =	vadd.f32 v41, v36;
	v41 =	vadd.s32 v8, v62  }
0x17a: {  	v24 =	vnsel vm0, $0x2F, v24;
	vm0 =	vlt.s32 v41, $0x2F  }
0x17b: {  	v63 =	vmul.f32 v20, v20;
	v20 =	vnsel vm0, $0x2F, v41;
	vm0 =	vnez.u8 v0  }
0x17c: {  	v48 =	vmul.f32 v58, v58;
	_ =	sdelay $0x1  }
0x17d: {  	v4 =	vadd.f32 v48, v55  }
0x17e: {  	vm11 =	vmmov vm4;
	vm4 =	vmmov vm13  }
0x17f: {  	vm13 =	vmmov vm3;
	vm3 =	vlt.f32 v4, $9.999999770e-03;
	v0 =	vimm.s32 $0x0  }
0x180: {  	v0 =	vsel vm3, $0xFFFFFFFF, v0;
	[tilespmem:v42+s26+$0x0] =	vst.idx.msk vm0, v21  }
0x181: {  	[tilespmem:$0x1FE90] =	vst v0;
	v0 =	vld [tilespmem:$0x1FF30];
	_ =	sdelay $0x4  }
0x182: {  	vm2 =	vnez.u8 v0;
	_ =	sdelay $0x3  }
0x183: {  	v47 =	vmul.f32 v6, v6;
	v6 =	vadd.f32 v63, v52;
	_ =	sdelay $0x1  }
0x184: {  	v0 =	vimm.s32 $0x0;
	[tilespmem:v34+s26+$0x0] =	vst.idx.msk vm2, v16;
	vm2 =	vlt.f32 v6, $9.999999770e-03  }
0x185: {  	v0 =	vsel vm2, $0xFFFFFFFF, v0  }
0x186: {  	[tilespmem:$0x1FEA0] =	vst v0;
	v0 =	vimm.s32 $0x0  }
0x187: {  	[tilespmem:v35+s28+$0x0] =	vst.idx.msk vm6, v16;
	v0 =	vsel vm1, $0xFFFFFFFF, v0  }
0x188: {  	[tilespmem:$0x1FE60] =	vst v0  }
0x189: {  	[tilespmem:v33+s29+$0x0] =	vst.idx.msk vm9, v16  }
0x18a: {  	[tilespmem:v32+s30+$0x0] =	vst.idx.msk vm4, v16  }
0x18b: {  	v0 =	vld [tilespmem:$0x1FF20]  }
0x18c: {  	v29 =	vmul.f32 v29, v29;
	_ =	sdelay $0x1  }
0x18d: {  	v29 =	vadd.f32 v29, v44;
	_ =	sdelay $0x1  }
0x18e: {  	vm0 =	vlt.f32 v29, $9.999999770e-03;
	v29 =	vmpcnt.ones.xlane vm1;
	vm1 =	vnez.u8 v0;
	_ =	sdelay $0x5  }
0x18f: {  	[tilespmem:v39+s28+$0x0] =	vst.idx.msk vm1, v21  }
0x190: {  	v0 =	vld [tilespmem:$0x1FF00];
	_ =	sdelay $0x1  }
0x191: {  	vm7 =	vmmov vm8  }
0x192: {  	vm8 =	vmmov vm5;
	vm5 =	vmmov vm7;
	_ =	sdelay $0x1  }
0x193: {  	vm7 =	vnez.u8 v0;
	_ =	sdelay $0x3  }
0x194: {  	[tilespmem:v38+s29+$0x0] =	vst.idx.msk vm5, v21  }
0x195: {  	[tilespmem:v37+s30+$0x0] =	vst.idx.msk vm8, v21;
	v0 =	vimm.s32 $0x0  }
0x196: {  	v0 =	vsel vm10, $0xFFFFFFFF, v0;
	[tilespmem:v23+s30+$0x0] =	vst.idx.msk vm7, v27  }
0x197: {  	[tilespmem:$0x1FE70] =	vst v0;
	v0 =	vld [tilespmem:$0x1FF40]  }
0x198: {  	v22 =	vmul.f32 v22, v22  }
0x199: {  	v2 =	vimm.s32 $0x0  }
0x19a: {  	v22 =	vadd.f32 v22, v50;
	v5 =	vadd.f32 v47, v51;
	vm12 =	vlt.f32 v36, $9.999999770e-03  }
0x19b: {  	v36 =	vmpcnt.ones.xlane vm12;
	v54 =	vmpcnt.ones.xlane vm3;
	v2 =	vsel vm12, $0xFFFFFFFF, v2  }
0x19c: {  	vm3 =	vlt.f32 v15, $9.999999770e-03;
	v21 =	vmpcnt.ones.xlane vm10;
	vm10 =	vnez.u8 v0  }
0x19d: {  	v44 =	vsel vm12, $0x1, v13;
	v62 =	vsel vm3, $0x1, v13;
	vm1 =	vmmov vm15  }
0x19e: {  	v52 =	vmpcnt.ones.xlane vm0;
	v57 =	vadd.s32 v19, v29;
	v47 =	vmpcnt.ones.xlane vm2  }
0x19f: {  	vm2 =	vlt.f32 v43, $9.999999770e-03;
	v43 =	vsel vm0, $0x1, v13;
	vm0 =	vmmov vm0  }
0x1a0: {  	s0 =	sadd.s32 $0x40, s11;
	v55 =	vmpcnt.ones.xlane vm2;
	vm6 =	vmmov vm14;
	vm9 =	vlt.f32 v46, $9.999999770e-03  }
0x1a1: {  	vm14 =	vlt.f32 v45, $9.999999770e-03;
	v45 =	vor.u32 s0, v12;
	v15 =	vmpcnt.ones.xlane vm9  }
0x1a2: {  	vm6 =	vmmov vm6;
	v16 =	vmpcnt.ones.xlane vm3;
	vm4 =	vlt.f32 v22, $9.999999770e-03;
	[tilespmem:v53+s26+$0x0] =	vst.idx.msk vm10, v14  }
0x1a3: {  	v22 =	vmpcnt.ones.xlane vm4;
	v34 =	vadd.s32 v57, v15;
	vm15 =	vlt.f32 v5, $9.999999770e-03;
	[tilespmem:v56+s28+$0x0] =	vst.idx.msk vm1, v14  }
0x1a4: {  	vm5 =	vlt.f32 v28, $9.999999770e-03;
	v28 =	vadd.s32 v34, v55;
	v63 =	vsel vm15, $0x1, v13;
	[tilespmem:$0x1FE80] =	vst v2;
	v2 =	vld [tilespmem:$0x1FE90]  }
0x1a5: {  	v29 =	vmpcnt.ones.xlane vm5;
	vm8 =	vlt.f32 v40, $9.999999770e-03;
	v19 =	vadd.s32 v28, v36  }
0x1a6: {  	v58 =	vmpcnt.ones.xlane vm8;
	v27 =	vmpcnt.ones.xlane vm13;
	vm7 =	vlt.f32 v26, $9.999999770e-03  }
0x1a7: {  	v41 =	vadd.s32 v8, v21;
	v21 =	vsel vm5, $0x1, v13;
	v15 =	vmpcnt.ones.xlane vm7  }
0x1a8: {  	v33 =	vadd.s32 v41, v29;
	v26 =	vmpcnt.ones.xlane vm14;
	v42 =	vadd.s32 v17, v27  }
0x1a9: {  	v35 =	vadd.s32 v42, v15;
	v15 =	vsel vm14, $0x1, v13;
	vm1 =	vnez.u8 v2;
	v2 =	vld [tilespmem:$0x1FEA0]  }
0x1aa: {  	v23 =	vmpcnt.ones.xlane vm15;
	v29 =	vadd.s32 v35, v16;
	v16 =	vsel vm9, $0x1, v13;
	(xrf0) =	vadd.scan.msk.s32 $0xffff, v15  }
0x1ab: {  	v38 =	vadd.s32 v7, v26;
	v26 =	vadd.s32 v33, v22;
	v15 =	vsel vm7, $0x1, v13;
	(xrf0) =	vadd.scan.msk.s32 $0xffff, v16  }
0x1ac: {  	v27 =	vsel vm2, $0x1, v13;
	v32 =	vadd.s32 v38, v58;
	v22 =	vadd.s32 v26, v54;
	(xrf0) =	vadd.scan.msk.s32 $0xffff, v15  }
0x1ad: {  	v17 =	vadd.s32 v29, v52;
	v16 =	vsel vm8, $0x1, v13;
	v0 =	vadd.s32 v32, v23;
	(xrf0) =	vadd.scan.msk.s32 $0xffff, v21  }
0x1ae: {  	s4 =	sadd.s32 $0x4, s4;
	s19 =	sadd.s32 $0xFFFFFFE0, s0;
	v15 =	vsel vm4, $0x1, v13;
	(xrf0) =	vadd.scan.msk.s32 $0xffff, v16;
	vm10 =	vnez.u8 v2;
	v2 =	vimm.s32 $0x0  }
0x1af: {  	p2 =	slt.u32 s4, s17;
	v18 =	vadd.s32 v0, v47;
	v21 =	vor.u32 s19, v12;
	(xrf0) =	vadd.scan.msk.s32 $0xffff, v27;
	v2 =	vsel vm0, $0xFFFFFFFF, v2  }
.Ltmp4:
0x1b0: {  	s18 =	sadd.s32 $0xFFFFFFD0, s0;
	v16, _, _ =	vpop (xrf0);
	v40 =	vsel vm1, $0x1, v13;
	vm1 =	vmmov vm1;
	[tilespmem:$0x1FEF0] =	vst v2;
	v2 =	vimm.s32 $0x0;
	(pc) =	sbr.rel @!p2 .LBB2_8-.Ltmp4, $4  }
0x1b1: {  	v27 =	vor.u32 s18, v12;
	(xrf0) =	vadd.scan.msk.s32 $0xffff, v62;
	v39 =	vadd.s32 v7, v16;
	v2 =	vsel vm1, $0xFFFFFFFF, v2  }
0x1b2: {  	s19 =	sadd.s32 $0xFFFFFFF0, s0;
	v16, _, _ =	vpop (xrf0);
	(xrf0) =	vadd.scan.msk.s32 $0xffff, v15;
	vm1 =	vmmov vm10;
	[tilespmem:$0x1FEB0] =	vst v2;
	v2 =	vimm.s32 $0x0  }
0x1b3: {  	v46 =	vadd.s32 v57, v16;
	(xrf0) =	vadd.scan.msk.s32 $0xffff, v63;
	v16 =	vor.u32 s19, v12;
	v2 =	vsel vm1, $0xFFFFFFFF, v2  }
0x1b4: {  	p1 =	por $0x1, $0x1;
	s5 =	sadd.s32 $0x40, s5;
	v47, _, _ =	vpop (xrf0);
	v36 =	vsel vm10, $0x1, v13;
	vm0 =	vmmov vm11;
	vm1 =	vlt.s32 v39, $0x2F;
	[tilespmem:$0x1FEC0] =	vst v2  }
.LBB2_9:
0x1b5: {  	v2 =	vld [tilespmem:$0x1FE60];
	_ =	sdelay $0x4  }
0x1b6: {  	vm10 =	vnez.u8 v2;
	_ =	sdelay $0x1  }
0x1b7: {  	v58, _, _ =	vpop (xrf0);
	(xrf0) =	vadd.scan.msk.s32 $0xffff, v44  }
0x1b8: {  	v15 =	vld [tilespmem:s5+$0xFFFFFFE0];
	v62, _, _ =	vpop (xrf0);
	(xrf0) =	vadd.scan.msk.s32 $0xffff, v43  }
0x1b9: {  	v37 =	vnsel vm1, $0x2F, v39;
	vm1 =	vlt.s32 v46, $0x2F;
	v57 =	vadd.s32 v42, v47;
	v4, _, _ =	vpop (xrf0);
	(xrf0) =	vadd.scan.msk.s32 $0xffff, v40  }
0x1ba: {  	v63 =	vld [tilespmem:s5+$0xFFFFFFF0];
	v44 =	vnsel vm1, $0x2F, v46;
	vm1 =	vlt.s32 v57, $0x2F;
	v41 =	vadd.s32 v41, v58;
	v5, _, _ =	vpop (xrf0);
	(xrf0) =	vadd.scan.msk.s32 $0xffff, v36  }
0x1bb: {  	v39 =	vnsel vm1, $0x2F, v57;
	vm1 =	vlt.s32 v41, $0x2F;
	[tilespmem:v25+s26+$0x0] =	vst.idx.msk vm10, v27;
	v25, _, _ =	vpop (xrf0)  }
0x1bc: {  	v38 =	vadd.s32 v38, v62;
	v40 =	vnsel vm1, $0x2F, v41;
	[tilespmem:v24+s28+$0x0] =	vst.idx.msk vm13, v27;
	v24, _, _ =	vpop (xrf0)  }
0x1bd: {  	v6 =	vld [tilespmem:s5+$0x0];
	v47 =	vsub.f32 v61, v15;
	v49 =	vsub.f32 v59, v15;
	v52 =	vadd.s32 v32, v24;
	v24, _, _ =	vpop (xrf0)  }
0x1be: {  	v51 =	vld [tilespmem:s5+$0x10];
	[tilespmem:v31+s29+$0x0] =	vst.idx.msk vm6, v14;
	vm1 =	vlt.s32 v38, $0x2F;
	v50 =	vsub.f32 v60, v15;
	v53 =	vsub.f32 v9, v15;
	v15, _, _ =	vpop (xrf0)  }
0x1bf: {  	s20 =	sadd.s32 $0x40, s20;
	v23 =	vld [tilespmem:$0x1FFC0];
	v54 =	vsub.f32 v61, v63;
	v56 =	vsub.f32 v59, v63;
	v29 =	vadd.s32 v29, v15;
	v15, _, _ =	vpop (xrf0)  }
0x1c0: {  	v57 =	vsub.f32 v60, v63;
	v43 =	vsub.f32 v9, v63;
	v63 =	vld [tilespmem:s20+$0x0];
	v2 =	vadd.s32 v26, v15;
	v15, _, _ =	vpop (xrf0)  }
0x1c1: {  	v11 =	vld [tilespmem:$0x1FF90];
	v41 =	vadd.s32 v34, v4;
	v38 =	vnsel vm1, $0x2F, v38;
	v3 =	vadd.s32 v0, v15;
	v0 =	vmovc v19  }
0x1c2: {  	vm1 =	vlt.s32 v41, $0x2F;
	v7 =	vadd.s32 v35, v5;
	v35 =	vsub.f32 v61, v6;
	[tilespmem:$0x1FE20] =	vst v0;
	v0 =	vld [tilespmem:$0x1FE70]  }
0x1c3: {  	v12 =	vld [tilespmem:$0x1FFB0];
	v34 =	vsub.f32 v9, v6;
	v50 =	vmul.f32 v50, v50;
	v54 =	vmul.f32 v54, v54  }
0x1c4: {  	s13 =	sadd.s32 $0x40, s13;
	v36 =	vsub.f32 v59, v6;
	v56 =	vmul.f32 v56, v56;
	v57 =	vmul.f32 v57, v57;
	v55 =	vld [tilespmem:s20+$0xFFFFFFE0]  }
0x1c5: {  	v43 =	vmul.f32 v43, v43;
	v34 =	vmul.f32 v34, v34;
	v8 =	vsub.f32 v23, v63;
	v58 =	vld [tilespmem:s13+$0xFFFFFFE0]  }
0x1c6: {  	[tilespmem:v30+s30+$0x0] =	vst.idx.msk vm0, v14;
	vm13 =	vlt.s32 v7, $0x2F;
	v48 =	vadd.s32 v33, v25;
	v32 =	vsub.f32 v59, v51;
	v59 =	vld [tilespmem:s13+$0xFFFFFFF0]  }
0x1c7: {  	v33 =	vsub.f32 v60, v6;
	v31 =	vnsel vm13, $0x2F, v7;
	v7 =	vld [tilespmem:s20+$0x10];
	vm10 =	vnez.u8 v0  }
0x1c8: {  	v25 =	vsub.f32 v60, v51;
	v8 =	vmul.f32 v8, v8;
	v28 =	vadd.s32 v28, v24  }
0x1c9: {  	v4 =	vmovc v22;
	v32 =	vmul.f32 v32, v32;
	v26 =	vsub.f32 v61, v51;
	v42 =	vsub.f32 v11, v55  }
0x1ca: {  	[tilespmem:$0x1FE40] =	vst v4;
	v24 =	vmovc v17;
	v15 =	vnsel vm1, $0x2F, v41;
	v60 =	vsub.f32 v1, v58;
	v61 =	vsub.f32 v23, v55  }
0x1cb: {  	v13 =	vld [tilespmem:$0x1FFA0];
	[tilespmem:$0x1FDF0] =	vst v2;
	v41 =	vsub.f32 v12, v59;
	v46 =	vsub.f32 v1, v59;
	v26 =	vmul.f32 v26, v26  }
0x1cc: {  	v17 =	vld [tilespmem:$0x1FFE0];
	[tilespmem:$0x1FE10] =	vst v3;
	v14 =	vsub.f32 v23, v7;
	v42 =	vmul.f32 v42, v42;
	v60 =	vmul.f32 v60, v60  }
0x1cd: {  	vm11 =	vlt.s32 v48, $0x2F;
	v61 =	vmul.f32 v61, v61;
	v41 =	vmul.f32 v41, v41;
	[tilespmem:v20+s29+$0x0] =	vst.idx.msk vm10, v27  }
0x1ce: {  	v30 =	vnsel vm11, $0x2F, v48;
	v46 =	vmul.f32 v46, v46;
	v14 =	vmul.f32 v14, v14;
	v20 =	vld [tilespmem:s20+$0xFFFFFFF0];
	[tilespmem:v44+s26+$0x0] =	vst.idx.msk vm9, v21  }
0x1cf: {  	v0 =	vimm.s32 $0x0;
	vm9 =	vlt.s32 v28, $0x2F;
	v44 =	vsub.f32 v12, v58;
	[tilespmem:v37+s30+$0x0] =	vst.idx.msk vm14, v27  }
0x1d0: {  	vm14 =	vlt.s32 v52, $0x2F;
	v27 =	vsub.f32 v9, v51;
	v51 =	vsub.f32 v13, v55;
	[tilespmem:v39+s28+$0x0] =	vst.idx.msk vm7, v21  }
0x1d1: {  	vm7 =	vlt.s32 v29, $0x2F;
	v55 =	vsub.f32 v17, v55;
	[tilespmem:v40+s29+$0x0] =	vst.idx.msk vm5, v21;
	vm5 =	vlt.s32 v2, $0x2F  }
0x1d2: {  	v37 =	vmovc v19;
	v44 =	vmul.f32 v44, v44;
	v0 =	vsel vm5, $0xFFFFFFFF, v0;
	[tilespmem:v38+s30+$0x0] =	vst.idx.msk vm8, v21;
	v38 =	vnsel vm14, $0x2F, v52  }
0x1d3: {  	v19 =	vld [tilespmem:$0x1FFD0];
	v39 =	vmovc v9;
	v52 =	vmul.f32 v53, v53;
	v53 =	vsub.f32 v11, v63;
	v51 =	vmul.f32 v51, v51  }
0x1d4: {  	v21 =	vmovc v18;
	v55 =	vmul.f32 v55, v55;
	v42 =	vadd.f32 v44, v42;
	v62 =	vsub.f32 v11, v20  }
0x1d5: {  	v9 =	vld [tilespmem:s13+$0x10];
	vm5 =	vlt.s32 v3, $0x2F;
	[tilespmem:$0x1FDE0] =	vst v0;
	v5 =	vmovc v21;
	v3 =	vsub.f32 v23, v20;
	v4 =	vsub.f32 v17, v20  }
0x1d6: {  	v18 =	vmovc v16;
	v0 =	vimm.s32 $0x0;
	[tilespmem:$0x1FE50] =	vst v5;
	v5 =	vsub.f32 v13, v63;
	v63 =	vsub.f32 v17, v63  }
0x1d7: {  	v2 =	vld [tilespmem:s13+$0x0];
	[tilespmem:v15+s26+$0x0] =	vst.idx.msk vm2, v18;
	v0 =	vsel vm5, $0xFFFFFFFF, v0;
	v11 =	vsub.f32 v11, v7;
	v44 =	vadd.f32 v60, v51  }
0x1d8: {  	v53 =	vmul.f32 v53, v53;
	v40 =	vsub.f32 v19, v58;
	[tilespmem:$0x1FE00] =	vst v0;
	v0 =	vsub.f32 v13, v20  }
0x1d9: {  	v16 =	vld [tilespmem:$0x1FFF0];
	v15 =	vnsel vm9, $0x2F, v28;
	v48 =	vsub.f32 v19, v59;
	v20 =	vmovc v22;
	v22 =	vmovc v45;
	v45 =	vmul.f32 v47, v47  }
0x1da: {  	v47 =	vmul.f32 v49, v49;
	v13 =	vsub.f32 v13, v7;
	v23 =	vsub.f32 v19, v9  }
0x1db: {  	v6 =	vmovc v24;
	v7 =	vsub.f32 v17, v7;
	v62 =	vmul.f32 v62, v62;
	v3 =	vmul.f32 v3, v3  }
0x1dc: {  	[tilespmem:$0x1FE30] =	vst v6;
	v6 =	vsub.f32 v1, v2;
	v4 =	vmul.f32 v4, v4;
	v5 =	vmul.f32 v5, v5  }
0x1dd: {  	v10 =	vsub.f32 v19, v2;
	v63 =	vmul.f32 v63, v63;
	v11 =	vmul.f32 v11, v11  }
0x1de: {  	v58 =	vsub.f32 v16, v58;
	v49 =	vsub.f32 v16, v59;
	v40 =	vmul.f32 v40, v40  }
0x1df: {  	v59 =	vsub.f32 v12, v2;
	v0 =	vmul.f32 v0, v0;
	v48 =	vmul.f32 v48, v48  }
0x1e0: {  	v1 =	vld [tilespmem:$0x1FF50];
	v2 =	vsub.f32 v16, v2;
	v13 =	vmul.f32 v13, v13;
	v23 =	vmul.f32 v23, v23  }
0x1e1: {  	v12 =	vsub.f32 v12, v9;
	v6 =	vmul.f32 v6, v6;
	v10 =	vmul.f32 v10, v10  }
0x1e2: {  	v41 =	vadd.f32 v41, v62;
	v58 =	vmul.f32 v58, v58;
	v40 =	vadd.f32 v40, v61  }
0x1e3: {  	v49 =	vmul.f32 v49, v49;
	v0 =	vadd.f32 v46, v0;
	v3 =	vadd.f32 v48, v3  }
0x1e4: {  	v59 =	vmul.f32 v59, v59;
	v5 =	vadd.f32 v6, v5;
	v62 =	vadd.f32 v10, v8  }
0x1e5: {  	v2 =	vmul.f32 v2, v2;
	v48 =	vadd.f32 v54, v41;
	v1 =	vsub.f32 v1, v9  }
0x1e6: {  	v12 =	vmul.f32 v12, v12;
	v9 =	vsub.f32 v16, v9;
	v51 =	vadd.f32 v58, v55  }
0x1e7: {  	v4 =	vadd.f32 v49, v4;
	v55 =	vadd.f32 v59, v53;
	v58 =	vmul.f32 v7, v7  }
0x1e8: {  	v2 =	vadd.f32 v2, v63;
	v10 =	vadd.f32 v12, v11;
	v11 =	vmul.f32 v36, v36  }
0x1e9: {  	v12 =	vadd.f32 v23, v14;
	v14 =	vmul.f32 v33, v33;
	v23 =	vadd.f32 v50, v40  }
0x1ea: {  	v0 =	vadd.f32 v56, v0;
	v3 =	vadd.f32 v57, v3;
	v16 =	vmul.f32 v27, v27  }
0x1eb: {  	v56 =	vimm.s32 $0x0;
	vm9 =	vlt.f32 v48, $9.999999770e-03;
	v1 =	vmul.f32 v1, v1  }
0x1ec: {  	v4 =	vadd.f32 v43, v4;
	v5 =	vadd.f32 v11, v5;
	v11 =	vmul.f32 v25, v25  }
0x1ed: {  	v8 =	vmul.f32 v9, v9;
	v7 =	vadd.f32 v14, v62;
	v2 =	vadd.f32 v34, v2  }
0x1ee: {  	v11 =	vadd.f32 v11, v12;
	v12 =	vnsel vm7, $0x2F, v29;
	vm7 =	vlt.f32 v0, $9.999999770e-03;
	v0 =	vld [tilespmem:$0x1FE80]  }
0x1ef: {  	v10 =	vadd.f32 v26, v10;
	vm5 =	vlt.f32 v3, $9.999999770e-03;
	v3 =	vld [tilespmem:$0x1FEF0];
	v1 =	vadd.f32 v1, v13  }
0x1f0: {  	v9 =	vmul.f32 v35, v35;
	v6 =	vadd.f32 v8, v58;
	v8 =	vadd.f32 v45, v42  }
0x1f1: {  	[tilespmem:v31+s28+$0x0] =	vst.idx.msk vm3, v18;
	vm11 =	vlt.f32 v23, $9.999999770e-03;
	v13 =	vadd.f32 v47, v44;
	v47 =	vadd.f32 v52, v51  }
0x1f2: {  	[tilespmem:v30+s29+$0x0] =	vst.idx.msk vm4, v18;
	v9 =	vadd.f32 v9, v55;
	vm8 =	vlt.f32 v4, $9.999999770e-03;
	vm4 =	vlt.f32 v7, $9.999999770e-03  }
0x1f3: {  	[tilespmem:v38+s30+$0x0] =	vst.idx.msk vm15, v18;
	v52 =	vmpcnt.ones.xlane vm9;
	vm15 =	vlt.f32 v2, $9.999999770e-03;
	vm0 =	vnez.u8 v0  }
0x1f4: {  	v55 =	vmpcnt.ones.xlane vm5;
	v53 =	vmpcnt.ones.xlane vm4;
	vm3 =	vnez.u8 v3  }
0x1f5: {  	v54 =	vmpcnt.ones.xlane vm7;
	v1 =	vadd.f32 v32, v1;
	v6 =	vadd.f32 v16, v6  }
0x1f6: {  	vm13 =	vlt.f32 v8, $9.999999770e-03;
	vm12 =	vlt.f32 v13, $9.999999770e-03;
	vm10 =	vlt.f32 v9, $9.999999770e-03  }
0x1f7: {  	vm1 =	vlt.f32 v11, $9.999999770e-03;
	v9 =	vmpcnt.ones.xlane vm15;
	v11 =	vmpcnt.ones.xlane vm11  }
0x1f8: {  	vm14 =	vlt.f32 v47, $9.999999770e-03;
	v13 =	vmpcnt.ones.xlane vm8;
	v3 =	vmpcnt.ones.xlane vm1  }
0x1f9: {  	v50 =	vmpcnt.ones.xlane vm13;
	[tilespmem:v15+s26+$0x0] =	vst.idx.msk vm0, v22;
	vm0 =	vlt.f32 v10, $9.999999770e-03;
	v10 =	vmpcnt.ones.xlane vm12  }
0x1fa: {  	v51 =	vmpcnt.ones.xlane vm10;
	vm6 =	vlt.f32 v1, $9.999999770e-03;
	[tilespmem:v12+s28+$0x0] =	vst.idx.msk vm3, v22;
	vm3 =	vlt.f32 v5, $9.999999770e-03  }
0x1fb: {  	v41 =	vadd.s32 v20, v11;
	v8 =	vmpcnt.ones.xlane vm3;
	v42 =	vadd.s32 v24, v10  }
0x1fc: {  	v1 =	vmpcnt.ones.xlane vm6;
	v12 =	vmpcnt.ones.xlane vm14;
	v35 =	vadd.s32 v42, v54  }
0x1fd: {  	vm2 =	vlt.f32 v6, $9.999999770e-03;
	v33 =	vadd.s32 v41, v55;
	v29 =	vadd.s32 v35, v8  }
0x1fe: {  	v38 =	vadd.s32 v21, v12;
	v17 =	vadd.s32 v29, v1;
	v1 =	vimm.s32 $0x0  }
0x1ff: {  	v32 =	vadd.s32 v38, v13;
	v13 =	vimm.s32 $0x0;
	v1 =	vsel vm13, $0xFFFFFFFF, v1  }
0x200: {  	v0 =	vimm.s32 $0x0;
	v26 =	vadd.s32 v33, v53;
	[tilespmem:$0x1FE60] =	vst v1;
	v1 =	vsel vm13, $0x1, v13  }
0x201: {  	v14 =	vmovc v22;
	v2 =	vadd.s32 v37, v50;
	v22 =	vadd.s32 v26, v3;
	v3 =	vsel vm12, $0x1, v13;
	(xrf0) =	vadd.scan.msk.s32 $0xffff, v1  }
0x202: {  	v48 =	vld [tilespmem:$0x1FDE0];
	v34 =	vadd.s32 v2, v52;
	v0 =	vsel vm0, $0xFFFFFFFF, v0;
	v57 =	vsel vm11, $0x1, v13;
	(xrf0) =	vadd.scan.msk.s32 $0xffff, v3  }
0x203: {  	v50 =	vld [tilespmem:$0x1FE00];
	[tilespmem:$0x1FE80] =	vst v0;
	v0 =	vmpcnt.ones.xlane vm0;
	v58 =	vsel vm14, $0x1, v13;
	(xrf0) =	vadd.scan.msk.s32 $0xffff, v57  }
0x204: {  	v49 =	vmpcnt.ones.xlane vm2;
	v53 =	vld [tilespmem:$0x1FEB0];
	v28 =	vadd.s32 v34, v51;
	v62 =	vsel vm9, $0x1, v13;
	(xrf0) =	vadd.scan.msk.s32 $0xffff, v58  }
0x205: {  	v51 =	vld [tilespmem:$0x1FE10];
	v19 =	vadd.s32 v28, v0;
	v0 =	vadd.s32 v32, v9;
	v63 =	vsel vm7, $0x1, v13;
	(xrf0) =	vadd.scan.msk.s32 $0xffff, v62  }
0x206: {  	v18 =	vadd.s32 v0, v49;
	v49 =	vld [tilespmem:$0x1FDF0];
	v1 =	vsel vm5, $0x1, v13;
	(xrf0) =	vadd.scan.msk.s32 $0xffff, v63  }
0x207: {  	v4 =	vsel vm11, $0xFFFFFFFF, v56;
	v56, _, _ =	vpop (xrf0);
	(xrf0) =	vadd.scan.msk.s32 $0xffff, v1;
	v1 =	vld [tilespmem:$0x1FEC0]  }
0x208: {  	v52 =	vimm.s32 $0x0;
	v44 =	vsel vm0, $0x1, v13;
	v43 =	vsel vm6, $0x1, v13  }
0x209: {  	v40 =	vsel vm1, $0x1, v13;
	vm13 =	vmmov vm12;
	vm12 =	vmmov vm6  }
0x20a: {  	[tilespmem:$0x1FE70] =	vst v4;
	vm0 =	vnez.u8 v48;
	v4 =	vsel vm12, $0xFFFFFFFF, v52;
	vm12 =	vnez.u8 v53  }
0x20b: {  	vm6 =	vmmov vm12;
	v31 =	vnsel vm0, $0x2F, v49;
	vm0 =	vnez.u8 v50  }
0x20c: {  	vm12 =	vmmov vm1;
	v30 =	vnsel vm0, $0x2F, v51;
	vm1 =	vnez.u8 v1  }
0x20d: {  	v1 =	vimm.s32 $0x0;
	vm0 =	vmmov vm1;
	vm1 =	vmmov vm2  }
0x20e: {  	v1 =	vsel vm1, $0xFFFFFFFF, v1  }
0x20f: {  	[tilespmem:$0x1FEC0] =	vst v1;
	v1 =	vld [tilespmem:$0x1FE20];
	_ =	sdelay $0x4  }
0x210: {  	v8 =	vsel vm8, $0x1, v13;
	v1 =	vadd.s32 v1, v56  }
0x211: {  	v9 =	vsel vm10, $0x1, v13;
	v58 =	vld [tilespmem:$0x1FE30];
	v57, _, _ =	vpop (xrf0);
	(xrf0) =	vadd.scan.msk.s32 $0xffff, v8;
	vm1 =	vlt.s32 v1, $0x2F  }
0x212: {  	s0 =	sadd.s32 $0x40, s0;
	v3 =	vsel vm3, $0x1, v13;
	v62, _, _ =	vpop (xrf0);
	(xrf0) =	vadd.scan.msk.s32 $0xffff, v9;
	v25 =	vnsel vm1, $0x2F, v1;
	v1 =	vld [tilespmem:$0x1FE40]  }
0x213: {  	s4 =	sadd.s32 $0x4, s4;
	s18 =	sadd.s32 $0xFFFFFFD0, s0;
	s19 =	sadd.s32 $0xFFFFFFE0, s0;
	v12 =	vlaneseq.u32;
	v54 =	vimm.s32 $0x0;
	v63, _, _ =	vpop (xrf0);
	(xrf0) =	vadd.scan.msk.s32 $0xffff, v3;
	v3 =	vld [tilespmem:$0x1FE50]  }
0x214: {  	p2 =	slt.u32 s4, s17;
	v45 =	vor.u32 s0, v12;
	v27 =	vor.u32 s18, v12;
	v21 =	vor.u32 s19, v12  }
.Ltmp5:
0x215: {  	s19 =	sadd.s32 $0xFFFFFFF0, s0;
	v10 =	vsel vm4, $0x1, v13;
	v11 =	vsel vm15, $0x1, v13;
	v36 =	vsel vm2, $0x1, v13;
	(pc) =	sbr.rel @p2 .LBB2_9-.Ltmp5, $4  }
0x216: {  	v60 =	vld [tilespmem:$0x1FF60];
	v16 =	vor.u32 s19, v12;
	[tilespmem:$0x1FEF0] =	vst v4;
	v55 =	vsel vm12, $0xFFFFFFFF, v54;
	v4 =	vadd.s32 v58, v57  }
0x217: {  	v61 =	vld [tilespmem:$0x1FF80];
	[tilespmem:$0x1FEB0] =	vst v55;
	v9 =	vmovc v39;
	vm2 =	vmmov vm10;
	vm1 =	vlt.s32 v4, $0x2F;
	v1 =	vadd.s32 v1, v62  }
0x218: {  	v59 =	vld [tilespmem:$0x1FF70];
	v39 =	vadd.s32 v3, v63;
	v3, _, _ =	vpop (xrf0);
	(xrf0) =	vadd.scan.msk.s32 $0xffff, v10;
	v24 =	vnsel vm1, $0x2F, v4;
	vm1 =	vlt.s32 v1, $0x2F  }
0x219: {  	s5 =	sadd.s32 $0x40, s5;
	v46 =	vadd.s32 v2, v3;
	v47, _, _ =	vpop (xrf0);
	(xrf0) =	vadd.scan.msk.s32 $0xffff, v11;
	v20 =	vnsel vm1, $0x2F, v1;
	v1 =	vld [tilespmem:$0x1FF50];
	vm1 =	vlt.s32 v39, $0x2F  }
0x21a: {  	v1 =	vld [tilespmem:$0x1FE70];
	_ =	sdelay $0x4  }
0x21b: {  	vm12 =	vnez.u8 v1;
	v1 =	vimm.s32 $0x0  }
0x21c: {  	v1 =	vsel vm3, $0xFFFFFFFF, v1  }
0x21d: {  	[tilespmem:$0x1FEE0] =	vst v1;
	v1 =	vimm.s32 $0x0  }
0x21e: {  	v1 =	vsel vm2, $0xFFFFFFFF, v1  }
0x21f: {  	[tilespmem:$0x1FF30] =	vst v1;
	v1 =	vld [tilespmem:$0x1FE80];
	_ =	sdelay $0x4  }
0x220: {  	vm10 =	vnez.u8 v1;
	v1 =	vimm.s32 $0x0  }
0x221: {  	v1 =	vsel vm10, $0xFFFFFFFF, v1  }
0x222: {  	[tilespmem:$0x1FF40] =	vst v1;
	v1 =	vimm.s32 $0x0  }
0x223: {  	v1 =	vsel vm4, $0xFFFFFFFF, v1  }
0x224: {  	[tilespmem:$0x1FED0] =	vst v1;
	v1 =	vld [tilespmem:$0x1FEB0];
	_ =	sdelay $0x4  }
0x225: {  	vm10 =	vnez.u8 v1;
	v1 =	vld [tilespmem:$0x1FEC0];
	_ =	sdelay $0x4  }
0x226: {  	vm3 =	vnez.u8 v1;
	v1 =	vld [tilespmem:$0x1FEF0];
	_ =	sdelay $0x2  }
0x227: {  	v10 =	vld [tilespmem:$0x1FFF0]  }
0x228: {  	v11 =	vld [tilespmem:$0x1FFE0]  }
0x229: {  	vm11 =	vnez.u8 v1;
	v1 =	vld [tilespmem:$0x1FE60]  }
0x22a: {  	v55 =	vld [tilespmem:$0x1FFD0]  }
0x22b: {  	v53 =	vld [tilespmem:$0x1FFC0]  }
0x22c: {  	v51 =	vld [tilespmem:$0x1FFA0]  }
0x22d: {  	v37 =	vmov v14;
	v48 =	vmov v22;
	v52 =	vld [tilespmem:$0x1FFB0];
	vm2 =	vmmov vm5  }
0x22e: {  	v15 =	vmovc v18;
	v14 =	vmovc v45;
	v49 =	vld [tilespmem:$0x1FF90];
	vm5 =	vmmov vm8;
	vm8 =	vmmov vm2;
	vm2 =	vnez.u8 v1  }
.LBB2_11:
0x22f: {  	_ =	sdelay $0x4  }
0x230: {  	v1 =	vadd.s32 v42, v47;
	v2 =	vnsel vm1, $0x2F, v39;
	[tilespmem:v25+s26+$0x0] =	vst.idx.msk vm2, v27  }
0x231: {  	v3, _, _ =	vpop (xrf0);
	vm1 =	vlt.s32 v46, $0x2F;
	(xrf0) =	vadd.scan.msk.s32 $0xffff, v44;
	[tilespmem:v31+s29+$0x0] =	vst.idx.msk @p1 vm6, v37;
	vm4 =	vlt.s32 v1, $0x2F  }
0x232: {  	v4 =	vnsel vm1, $0x2F, v46;
	v3 =	vadd.s32 v41, v3;
	v5, _, _ =	vpop (xrf0);
	(xrf0) =	vadd.scan.msk.s32 $0xffff, v43;
	[tilespmem:v24+s28+$0x0] =	vst.idx.msk vm13, v27  }
0x233: {  	v1 =	vnsel vm4, $0x2F, v1;
	v5 =	vadd.s32 v38, v5;
	vm4 =	vlt.s32 v3, $0x2F;
	v6, _, _ =	vpop (xrf0);
	(xrf0) =	vadd.scan.msk.s32 $0xffff, v40  }
0x234: {  	[tilespmem:v30+s30+$0x0] =	vst.idx.msk @p1 vm0, v37;
	v3 =	vnsel vm4, $0x2F, v3;
	vm13 =	vlt.s32 v5, $0x2F;
	v7, _, _ =	vpop (xrf0);
	(xrf0) =	vadd.scan.msk.s32 $0xffff, v36  }
0x235: {  	[tilespmem:v20+s29+$0x0] =	vst.idx.msk vm12, v27;
	v5 =	vnsel vm13, $0x2F, v5;
	v41, _, _ =	vpop (xrf0)  }
0x236: {  	[tilespmem:v2+s30+$0x0] =	vst.idx.msk vm14, v27;
	v44, _, _ =	vpop (xrf0)  }
0x237: {  	[tilespmem:v4+s26+$0x0] =	vst.idx.msk vm9, v21;
	v47, _, _ =	vpop (xrf0)  }
0x238: {  	[tilespmem:v1+s28+$0x0] =	vst.idx.msk vm7, v21;
	v54, _, _ =	vpop (xrf0)  }
0x239: {  	[tilespmem:v3+s29+$0x0] =	vst.idx.msk vm8, v21;
	v57, _, _ =	vpop (xrf0)  }
0x23a: {  	[tilespmem:v5+s30+$0x0] =	vst.idx.msk vm5, v21;
	v8, _, _ =	vpop (xrf0)  }
0x23b: {  	v0 =	vadd.s32 v0, v8;
	v8 =	vld [tilespmem:$0x1FF30];
	_ =	sdelay $0x3  }
0x23c: {  	v6 =	vadd.s32 v34, v6  }
0x23d: {  	vm4 =	vlt.s32 v6, $0x2F;
	vm6 =	vnez.u8 v8  }
0x23e: {  	v42 =	vnsel vm4, $0x2F, v6;
	_ =	sdelay $0x4  }
0x23f: {  	[tilespmem:v42+s26+$0x0] =	vst.idx.msk vm6, v16  }
0x240: {  	v62 =	vld [tilespmem:$0x1FEE0];
	_ =	sdelay $0x3  }
0x241: {  	v43 =	vadd.s32 v35, v7  }
0x242: {  	vm12 =	vlt.s32 v43, $0x2F;
	vm9 =	vnez.u8 v62  }
0x243: {  	v6 =	vnsel vm12, $0x2F, v43;
	_ =	sdelay $0x4  }
0x244: {  	[tilespmem:v6+s28+$0x0] =	vst.idx.msk vm9, v16  }
0x245: {  	v6 =	vld [tilespmem:$0x1FED0];
	_ =	sdelay $0x2  }
0x246: {  	v46 =	vadd.s32 v32, v44  }
0x247: {  	v45 =	vadd.s32 v33, v41;
	vm14 =	vlt.s32 v46, $0x2F  }
0x248: {  	vm13 =	vlt.s32 v45, $0x2F;
	v2 =	vnsel vm14, $0x2F, v46;
	vm14 =	vnez.u8 v6  }
0x249: {  	v1 =	vnsel vm13, $0x2F, v45;
	_ =	sdelay $0x4  }
0x24a: {  	[tilespmem:v1+s29+$0x0] =	vst.idx.msk vm14, v16  }
0x24b: {  	[tilespmem:v2+s30+$0x0] =	vst.idx.msk vm15, v16  }
0x24c: {  	v1 =	vld [tilespmem:$0x1FF40];
	_ =	sdelay $0x3  }
0x24d: {  	v50 =	vadd.s32 v28, v47  }
0x24e: {  	v56 =	vadd.s32 v29, v54;
	vm4 =	vlt.s32 v50, $0x2F;
	vm15 =	vnez.u8 v1  }
0x24f: {  	v7 =	vadd.s32 v26, v57;
	v3 =	vnsel vm4, $0x2F, v50;
	vm5 =	vlt.s32 v56, $0x2F  }
0x250: {  	v58 =	vnsel vm5, $0x2F, v56;
	vm7 =	vlt.s32 v7, $0x2F  }
0x251: {  	v63 =	vnsel vm7, $0x2F, v7;
	vm12 =	vlt.s32 v0, $0x2F  }
0x252: {  	v0 =	vnsel vm12, $0x2F, v0;
	_ =	sdelay $0x1  }
0x253: {  	[tilespmem:v3+s26+$0x0] =	vst.idx.msk vm15, v14  }
0x254: {  	[tilespmem:v58+s28+$0x0] =	vst.idx.msk vm11, v14  }
0x255: {  	[tilespmem:v63+s29+$0x0] =	vst.idx.msk vm10, v14  }
0x256: {  	vm13 =	vmmov vm3;
	vm8 =	vmmov vm10;
	[tilespmem:v0+s30+$0x0] =	vst.idx.msk vm3, v14  }
0x257: {  	vm0 =	vlt.s32 v19, v17;
	vm1 =	vlt.s32 v48, v15  }
0x258: {  	v14 =	vsel vm0, v19, v17;
	v16 =	vsel vm1, v48, v15  }
0x259: {  	vm0 =	vlt.s32 v14, v16  }
0x25a: {  	v14 =	vsel vm0, v14, v16  }
0x25b: {  	v14 =	vxor.u32 $0x80000000, v14  }
0x25c: {  	(xrf0) =	vmin.scan.msk.u32 $0xffff, v14;
	_ =	sdelay $0x5  }
0x25d: {  	v14, _, _ =	vpop (xrf0)  }
0x25e: {  	(v2sf) =	vpush v14, $0xF;
	_ =	sdelay $0xe  }
0x25f: {  	p1 =	sgt.u32 s16, $0xE;
	s0 =	spop (v2sf)  }
0x260: {  	p2 =	sgt.u32 @!p1 s0, $0x8000001E  }
0x261: {  	p1 =	por p1, p2  }
.Ltmp6:
0x262: {  	_ = 	snop;
	(pc) =	sbr.rel @!p1 .LBB2_5-.Ltmp6, $4  }
.Ltmp7:
0x263: {  	_ = 	snop;
	(pc) =	sbr.rel @p1 .LBB2_12-.Ltmp7, $4  }
0x264: {  	_ = 	snop  }
0x265: {  	s16 =	sadd.s32 $0x1, s16;
	s11 =	sadd.s32 $0x400, s11  }
0x266: {  	s12 =	sadd.s32 $0x400, s12;
	s14 =	sadd.s32 $0x400, s14;
	s15 =	sadd.s32 $0x400, s15;
	v1 =	vld [tilespmem:$0x1FF50]  }
0x267: {  	_ = 	snop  }
.LBB2_6:
0x268: {  	v1 =	vimm.s32 $0x0  }
0x269: {  	v1 =	vsel vm15, $0xFFFFFFFF, v1  }
0x26a: {  	[tilespmem:$0x1FEF0] =	vst v1;
	v1 =	vld [tilespmem:$0x1FF00];
	_ =	sdelay $0x4  }
0x26b: {  	vm10 =	vmmov vm14;
	vm14 =	vnez.u8 v1;
	v1 =	vimm.s32 $0x0  }
0x26c: {  	v1 =	vsel vm9, $0xFFFFFFFF, v1  }
0x26d: {  	[tilespmem:$0x1FED0] =	vst v1;
	v1 =	vld [tilespmem:$0x1FF10];
	_ =	sdelay $0x4  }
0x26e: {  	vm9 =	vnez.u8 v1;
	v1 =	vld [tilespmem:$0x1FF20];
	_ =	sdelay $0x4  }
0x26f: {  	vm7 =	vnez.u8 v1;
	v1 =	vimm.s32 $0x0  }
0x270: {  	v1 =	vsel vm6, $0xFFFFFFFF, v1  }
0x271: {  	[tilespmem:$0x1FEE0] =	vst v1;
	v1 =	vld [tilespmem:$0x1FEF0]  }
.Ltmp8:
0x272: {  	_ = 	snop;
	(pc) =	sbr.rel .LBB2_11-.Ltmp8, $3  }
0x273: {  	_ =	sdelay $0x1  }
0x274: {  	vm12 =	vmmov vm11;
	vm15 =	vmmov vm13  }
0x275: {  	vm13 =	vmmov vm3;
	vm3 =	vmmov vm4;
	vm11 =	vnez.u8 v1  }
.LBB2_8:
0x276: {  	v1 =	vld [tilespmem:$0x1FE70];
	_ =	sdelay $0x4  }
0x277: {  	vm12 =	vnez.u8 v1;
	v1 =	vimm.s32 $0x0  }
0x278: {  	v1 =	vsel vm3, $0xFFFFFFFF, v1  }
0x279: {  	[tilespmem:$0x1FEE0] =	vst v1;
	v1 =	vimm.s32 $0x0  }
0x27a: {  	v1 =	vsel vm2, $0xFFFFFFFF, v1  }
0x27b: {  	[tilespmem:$0x1FF30] =	vst v1;
	v1 =	vld [tilespmem:$0x1FE80];
	_ =	sdelay $0x4  }
0x27c: {  	vm10 =	vnez.u8 v1;
	v1 =	vimm.s32 $0x0  }
0x27d: {  	v1 =	vsel vm10, $0xFFFFFFFF, v1  }
0x27e: {  	[tilespmem:$0x1FF40] =	vst v1;
	v1 =	vimm.s32 $0x0  }
0x27f: {  	v1 =	vsel vm4, $0xFFFFFFFF, v1  }
0x280: {  	[tilespmem:$0x1FED0] =	vst v1;
	v1 =	vld [tilespmem:$0x1FEB0];
	_ =	sdelay $0x4  }
0x281: {  	vm10 =	vnez.u8 v1;
	v1 =	vld [tilespmem:$0x1FEC0];
	_ =	sdelay $0x4  }
0x282: {  	vm3 =	vnez.u8 v1;
	v1 =	vld [tilespmem:$0x1FEF0];
	_ =	sdelay $0x2  }
0x283: {  	v10 =	vld [tilespmem:$0x1FFF0]  }
0x284: {  	v11 =	vld [tilespmem:$0x1FFE0]  }
0x285: {  	vm11 =	vnez.u8 v1;
	v1 =	vld [tilespmem:$0x1FE60]  }
.Ltmp9:
0x286: {  	v55 =	vld [tilespmem:$0x1FFD0];
	(pc) =	sbr.rel .LBB2_11-.Ltmp9, $4  }
0x287: {  	v53 =	vld [tilespmem:$0x1FFC0]  }
0x288: {  	v51 =	vld [tilespmem:$0x1FFA0]  }
0x289: {  	v37 =	vmov v14;
	v48 =	vmov v22;
	v52 =	vld [tilespmem:$0x1FFB0];
	vm2 =	vmmov vm5  }
0x28a: {  	v15 =	vmovc v18;
	v14 =	vmovc v45;
	v49 =	vld [tilespmem:$0x1FF90];
	vm5 =	vmmov vm8;
	vm8 =	vmmov vm2;
	vm2 =	vnez.u8 v1  }
.LBB2_14:
0x28b: {  	s0 =	rddreg [dreg:$0xd];
	s4 =	simm.s32 $0xC180  }
0x28c: {  	[spmem:s0] =	stream.linear.scatter [tilespmem:s4], [sflag:$0x1], $0x1000, $0x38;
	[tilespmem:$0x1F380] =	vst v63  }
0x28d: {  	_ =	swait.ge [sflag:s6], $0x1000  }
0x28e: {  	s5 =	simm.s32 $0xD180;
	[sflag:s6] =	ssyncset.done $0x0  }
0x28f: {  	s0 =	simm.s32 $0x0;
	s12 =	rddreg [dreg:$0xe];
	[sflag:s6] =	ssyncadd.s32 $0xFFFFF000  }
0x290: {  	[hbm4b:s12+s0] =	stream.linear.scatter [tilespmem:s5], [sflag:$0x1], $0x1000, $0x38;
	[tilespmem:$0x1F380] =	vst v63  }
0x291: {  	_ =	swait.ge [sflag:s6], $0x1000  }
0x292: {  	[sflag:s6] =	ssyncset.done $0x0  }
0x293: {  	s14 =	simm.s32 $0xE180;
	s13 =	rddreg [dreg:$0xf];
	[sflag:s6] =	ssyncadd.s32 $0xFFFFF000  }
0x294: {  	[hbm4b:s13+s0] =	stream.linear.scatter [tilespmem:s14], [sflag:$0x1], $0x1000, $0x38;
	[tilespmem:$0x1F380] =	vst v63  }
0x295: {  	_ =	swait.ge [sflag:s6], $0x1000  }
0x296: {  	[sflag:s6] =	ssyncset.done $0x0  }
0x297: {  	s18 =	simm.s32 $0xF180;
	s17 =	rddreg [dreg:$0x10];
	[sflag:s6] =	ssyncadd.s32 $0xFFFFF000  }
0x298: {  	[hbm4b:s17+s0] =	stream.linear.scatter [tilespmem:s18], [sflag:$0x1], $0x1000, $0x38;
	[tilespmem:$0x1F380] =	vst v63  }
0x299: {  	_ =	swait.ge [sflag:s6], $0x1000  }
0x29a: {  	[sflag:s6] =	ssyncset.done $0x0  }
0x29b: {  	[sflag:s6] =	ssyncadd.s32 $0xFFFFF000  }
0x29c: {  	[bflag:$0x0] =	sbarrier.arrive $0xFFFF  }
0x29d: {  	s20 =	simm.s32 $0x14380;
	s19 =	rddreg [dreg:$0xc]  }
0x29e: {  	[tilespmem:s20], [sflag:$0x1] =	stream.linear.gather [spmem:s19], $0x8000, $0x38;
	[tilespmem:$0x1F380] =	vst v63  }
0x29f: {  	_ =	swait.ge [sflag:s6], $0x8000  }
0x2a0: {  	[sflag:s6] =	ssyncset.done $0x0  }
0x2a1: {  	s4 =	simm.s32 $0x0;
	[sflag:s6] =	ssyncadd.s32 $0xFFFF8000  }
.LBB2_15:
0x2a2: {  	s5 =	sshll.u32 s4, $0x3  }
0x2a3: {  	s5 =	sor.u32 s15, s5  }
0x2a4: {  	s8 =	rddreg [dreg:$0x11];
	s7 =	sshll.u32 s5, $0xE  }
0x2a5: {  	s7 =	sadd.s32 s8, s7  }
0x2a6: {  	s7 =	sshrl.u32 s7, $0x3  }
0x2a7: {  	s7 =	sadd.s32 s16, s7  }
0x2a8: {  	[tilespmem:s3], [sflag:$0x1] =	stream.linear.gather [hbm4b:s7+s0], $0x4000, $0x38;
	[tilespmem:$0x1F380] =	vst v63  }
0x2a9: {  	_ =	swait.ge [sflag:s6], $0x4000  }
0x2aa: {  	s20 =	rddreg [dreg:$0x12]  }
0x2ab: {  	s8 =	simm.s32 $0x0;
	[sflag:s6] =	ssyncset.done $0x0;
	s5 =	sadd.s32 s5, s20  }
0x2ac: {  	s7 =	simm.s32 $0x143C0;
	[sflag:s6] =	ssyncadd.s32 $0xFFFFC000;
	s5 =	sshll.u32 s5, $0xF  }
.LBB2_16:
0x2ad: {  	v0 =	vld [tilespmem:s7+$0x20];
	_ =	sdelay $0x1  }
0x2ae: {  	v3 =	vld [tilespmem:s7+$0xFFFFFFC0]  }
0x2af: {  	v1 =	vld [tilespmem:s7+$0xFFFFFFE0]  }
0x2b0: {  	v2 =	vld [tilespmem:s7+$0x0];
	_ =	sdelay $0x1  }
0x2b1: {  	s10 =	sadd.s32 $0x80, s7  }
0x2b2: {  	v4 =	vld [tilespmem:s10+$0x20]  }
0x2b3: {  	v0 =	vld.idx.msk [tilespmem:v0+s3+$0x0], $0xffff  }
0x2b4: {  	v5 =	vld [tilespmem:s10+$0xFFFFFFE0]  }
0x2b5: {  	v3 =	vld.idx.msk [tilespmem:v3+s3+$0x0], $0xffff  }
0x2b6: {  	v1 =	vld.idx.msk [tilespmem:v1+s3+$0x0], $0xffff  }
0x2b7: {  	s9 =	simm.s32 $0x1C3C0;
	v2 =	vld.idx.msk [tilespmem:v2+s3+$0x0], $0xffff  }
0x2b8: {  	v6 =	vld [tilespmem:s10+$0x0];
	[tilespmem:s9+$0x20] =	vst v0  }
0x2b9: {  	v0 =	vld [tilespmem:s7+$0x30]  }
0x2ba: {  	[tilespmem:s9+$0xFFFFFFC0] =	vst v3;
	v3 =	vld [tilespmem:s10+$0xFFFFFFC0]  }
0x2bb: {  	[tilespmem:s9+$0xFFFFFFE0] =	vst v1;
	v1 =	vld [tilespmem:s7+$0xFFFFFFD0]  }
0x2bc: {  	[tilespmem:s9+$0x0] =	vst v2;
	v2 =	vld [tilespmem:s7+$0xFFFFFFF0]  }
0x2bd: {  	v7 =	vld [tilespmem:s7+$0x10]  }
0x2be: {  	v4 =	vld.idx.msk [tilespmem:v4+s3+$0x0], $0xffff  }
0x2bf: {  	v8 =	vld.idx.msk [tilespmem:v5+s3+$0x0], $0xffff  }
0x2c0: {  	v5 =	vld.idx.msk [tilespmem:v6+s3+$0x0], $0xffff  }
0x2c1: {  	v0 =	vld.idx.msk [tilespmem:v0+s3+$0x0], $0xffff  }
0x2c2: {  	v6 =	vld.idx.msk [tilespmem:v3+s3+$0x0], $0xffff  }
0x2c3: {  	s11 =	simm.s32 $0x1C440;
	v3 =	vld.idx.msk [tilespmem:v1+s3+$0x0], $0xffff  }
0x2c4: {  	[tilespmem:s11+$0x20] =	vst v4;
	v2 =	vld.idx.msk [tilespmem:v2+s3+$0x0], $0xffff  }
0x2c5: {  	[tilespmem:s11+$0xFFFFFFE0] =	vst v8;
	v4 =	vld.idx.msk [tilespmem:v7+s3+$0x0], $0xffff  }
0x2c6: {  	s12 =	sshll.u32 s8, $0xD;
	s13 =	simm.s32 $0x4;
	s14 =	sadd.s32 $0x80, s10;
	v7 =	vld [tilespmem:s10+$0x30];
	[tilespmem:s9+$0x30] =	vst v0  }
.LBB2_17:
0x2c7: {  	v0 =	vld [tilespmem:s14+$0x20];
	s13 =	sadd.s32 $0x4, s13;
	[tilespmem:s11+$0x0] =	vst v5  }
0x2c8: {  	v1 =	vld [tilespmem:s14+$0xFFFFFFE0];
	p1 =	slt.u32 s13, $0xFC;
	[tilespmem:s11+$0xFFFFFFC0] =	vst v6  }
0x2c9: {  	v5 =	vld [tilespmem:s14+$0x0];
	[tilespmem:s9+$0xFFFFFFD0] =	vst v3  }
0x2ca: {  	v3 =	vld [tilespmem:s14+$0xFFFFFFC0];
	[tilespmem:s9+$0xFFFFFFF0] =	vst v2  }
0x2cb: {  	v2 =	vld [tilespmem:s10+$0xFFFFFFD0];
	[tilespmem:s9+$0x10] =	vst v4;
	s9 =	smov.u32 s11  }
0x2cc: {  	v4 =	vld [tilespmem:s10+$0xFFFFFFF0]  }
0x2cd: {  	v8 =	vld [tilespmem:s10+$0x10];
	s10 =	smov.u32 s14  }
0x2ce: {  	v7 =	vld.idx.msk [tilespmem:v7+s3+$0x0], $0xffff  }
0x2cf: {  	v0 =	vld.idx.msk [tilespmem:v0+s3+$0x0], $0xffff  }
0x2d0: {  	v1 =	vld.idx.msk [tilespmem:v1+s3+$0x0], $0xffff  }
0x2d1: {  	v5 =	vld.idx.msk [tilespmem:v5+s3+$0x0], $0xffff  }
.Ltmp10:
0x2d2: {  	v6 =	vld.idx.msk [tilespmem:v3+s3+$0x0], $0xffff;
	(pc) =	sbr.rel @p1 .LBB2_17-.Ltmp10, $4  }
0x2d3: {  	v3 =	vld.idx.msk [tilespmem:v2+s3+$0x0], $0xffff  }
0x2d4: {  	s11 =	sadd.s32 $0x80, s11;
	v2 =	vld.idx.msk [tilespmem:v4+s3+$0x0], $0xffff;
	[tilespmem:s9+$0x30] =	vst v7  }
0x2d5: {  	[tilespmem:s11+$0x20] =	vst v0;
	v4 =	vld.idx.msk [tilespmem:v8+s3+$0x0], $0xffff  }
0x2d6: {  	s14 =	sadd.s32 $0x80, s14;
	[tilespmem:s11+$0xFFFFFFE0] =	vst v1;
	v7 =	vld [tilespmem:s10+$0x30]  }
0x2d7: {  	_ = 	snop  }
0x2d8: {  	[tilespmem:s11+$0xFFFFFFC0] =	vst v6;
	v1 =	vld [tilespmem:s10+$0xFFFFFFF0]  }
0x2d9: {  	[tilespmem:s11+$0x0] =	vst v5;
	v0 =	vld [tilespmem:s10+$0xFFFFFFD0]  }
0x2da: {  	v5 =	vld [tilespmem:s10+$0x10];
	_ =	sdelay $0x4  }
0x2db: {  	v62 =	vld.idx.msk [tilespmem:v7+s3+$0x0], $0xffff  }
0x2dc: {  	v1 =	vld.idx.msk [tilespmem:v1+s3+$0x0], $0xffff  }
0x2dd: {  	[tilespmem:s9+$0xFFFFFFD0] =	vst v3;
	v0 =	vld.idx.msk [tilespmem:v0+s3+$0x0], $0xffff  }
0x2de: {  	[tilespmem:s9+$0xFFFFFFF0] =	vst v2;
	v63 =	vld.idx.msk [tilespmem:v5+s3+$0x0], $0xffff  }
0x2df: {  	[tilespmem:s9+$0x10] =	vst v4  }
0x2e0: {  	[tilespmem:s11+$0x30] =	vst v62  }
0x2e1: {  	s20 =	sadd.s32 s5, s12;
	s8 =	sadd.s32 $0x1, s8;
	[tilespmem:s11+$0xFFFFFFF0] =	vst v1  }
0x2e2: {  	p1 =	sne.s32 s8, $0x4;
	s9 =	sshrl.u32 s20, $0x3;
	[tilespmem:s11+$0xFFFFFFD0] =	vst v0  }
.Ltmp11:
0x2e3: {  	s9 =	sadd.s32 s1, s9;
	[tilespmem:s11+$0x10] =	vst v63;
	(pc) =	sbr.rel @p1 .LBB2_16-.Ltmp11, $4  }
0x2e4: {  	[hbm4b:s9+s2] =	stream.linear.scatter [tilespmem:s31], [sflag:$0x1], $0x2000, $0x38;
	[tilespmem:$0x1F380] =	vst v63  }
0x2e5: {  	_ =	swait.ge [sflag:s6], $0x2000  }
0x2e6: {  	[sflag:s6] =	ssyncset.done $0x0  }
0x2e7: {  	s7 =	sadd.s32 $0x2000, s7;
	[sflag:s6] =	ssyncadd.s32 $0xFFFFE000  }
0x2e8: {  	s4 =	sadd.s32 $0x1, s4  }
0x2e9: {  	p1 =	sne.s32 s4, $0x8  }
.Ltmp12:
0x2ea: {  	_ = 	snop;
	(pc) =	sbr.rel @p1 .LBB2_15-.Ltmp12, $1  }
0x2eb: {  	_ =	sdelay $0x3  }
0x2ec: {  	s4 =	rddreg [dreg:$0x14]  }
0x2ed: {  	s0 =	rddreg [dreg:$0x13];
	s4 =	sadd.s32 $0x1, s4  }
0x2ee: {  	p1 =	sne.s32 s4, s0  }
.Ltmp13:
0x2ef: {  	_ = 	snop;
	(pc) =	sbr.rel @p1 .LBB2_1-.Ltmp13, $1  }
0x2f0: {  	_ =	sdelay $0x3  }
0x2f1: {  	_ =	sfence.sel $0x180000  }
0x2f2: {  	[bflag:$0x0] =	sbarrier.arrive $0xFFFF  }
0x2f3: {  	_ =	strace $0x90000047  }
0x2f4: {  	s0 =	stileid.u32;
	[bflag:$0x2] =	sbarrier.arrive $0xFFFF  }
0x2f5: {  	p0 =	sne.s32 s0, $0x0;
	s0 =	rddreg [dreg:$0x3]  }
0x2f6: {  	s0 =	sadd.s32 @!p0 $0x100000, s0  }
0x2f7: {  	[sflag:s0] =	ssyncadd.tile.s32 @!p0 $0x1;
	_ =	shalt  }
.Lfunc_end2:
_tile_overlayer_lowered:
.L_overlay_start_2:
0x2f8: {  	(tag) =	ssettag $0x2  }
0x2f9: {  	s0 =	rddreg [dreg:$0x0];
	s2 =	stileid.u32  }
0x2fa: {  	s1 =	rddreg [dreg:$0x1];
	p0 =	sne.s32 s2, $0x0  }
0x2fb: {  	s3 =	rddreg [dreg:$0x2];
	[bflag:$0x3] =	sbarrier.arrive $0xFFFF;
	s2 =	simm.s32 @!p0 $0x1C01  }
0x2fc: {  	[timem:s3], [sflag:s2] =	dma.local @!p0 [hbm:s0], s1  }
0x2fd: {  	s0 =	simm.s32 @!p0 $0x1  }
0x2fe: {  	_ =	swait.ge @!p0 [sflag:s0], s1  }
0x2ff: {  	s1 =	ssub.s32 @!p0 $0x0, s1;
	[sflag:s0] =	ssyncset.done @!p0 $0x0  }
0x300: {  	[sflag:s0] =	ssyncadd.s32 @!p0 s1  }
0x301: {  	[bflag:$0x3] =	sbarrier.arrive $0xFFFF  }
0x302: {  	_ =	shalt  }

// kernel: sparse-core-data-format-call.cloned.1.call-start
scs
called_computation_lowered:
.L_overlay_start_0:
0x0: {  	s2 =	sld [smem:$0x3FD9]  }
0x1: {  	s3 =	sld [smem:$0x3FFE];
	_ =	sdelay $0x1  }
0x2: {  	s1 =	srdreg.scid  }
0x3: {  	s0 =	sand.u32 $0x1, s1  }
0x4: {  	s18 =	sshll.u32 s0, $0xA;
	s2 =	sadd.s32 s3, s2  }
0x5: {  	s2 =	sadd.s32 s2, s18  }
0x6: {  	[smem:$0x3FC5] =	sst s2  }
0x7: {  	_ = 	snop  }
0x8: {  	s2 =	sld [smem:$0x3FD0];
	(tm) =	ssettm $0x1  }
0x9: {  	s19 =	sld [smem:$0x3FFB];
	_ =	sdelay $0x3  }
0xa: {  	_ =	strace s19  }
0xb: {  	s3 =	sld [smem:$0x3FFC];
	_ =	sdelay $0x3  }
0xc: {  	_ =	strace s3  }
0xd: {  	s3 =	sld [smem:$0x3FFD];
	_ =	sdelay $0x3  }
0xe: {  	_ =	strace s3  }
0xf: {  	_ =	strace $0x8FFFFFFF  }
0x10: {  	s20 =	sld [smem:$0x3FDB];
	_ =	sdelay $0x1  }
0x11: {  	s4 =	simm.s32 $_scs_section_size  }
0x12: {  	s5 =	simm.s32 $_size__tile_overlayer_lowered;
	s6 =	simm.s32 $_tile_overlayer_lowered  }
0x13: {  	s23 =	simm.s32 $0x1BFF;
	s22 =	sshll.u32 s6, $0x1;
	s3 =	sadd.s32 s4, s20  }
0x14: {  	s7 =	simm.s32 $0x0;
	s21 =	sshll.u32 s5, $0x1;
	s5 =	sadd.s32 s22, s3  }
0x15: {  	[timem:s7], [sflag:s23] =	dma.local [hbm:s5], s21  }
0x16: {  	_ =	swait.ge [sflag:s23], s21  }
0x17: {  	s4 =	ssub.s32 $0x0, s21;
	[sflag:s23] =	ssyncset.done $0x0  }
0x18: {  	[sflag:s23] =	ssyncadd.s32 s4;
	_ =	sdelay $0x1  }
0x19: {  	s24 =	simm.s32 $0x1B8B  }
0x1a: {  	_ =	swait.ge [sflag:s24], $0x1  }
0x1b: {  	[sflag:s24] =	ssyncset.done $0x0  }
0x1c: {  	s26 =	simm.s32 $0x1B8E;
	s25 =	sld [smem:$0x3FFE];
	[sflag:s24] =	ssyncadd.s32 $0xFFFFFFFF  }
0x1d: {  	s27 =	simm.s32 $execute0_lowered;
	[smem:$0x3FD2] =	sst s26  }
0x1e: {  	s5 =	sshll.u32 s27, $0x1;
	_ =	strace $0x80000049;
	[dreg:$0x1] =	wrdreg $0xFFFFFFFF  }
0x1f: {  	s28 =	simm.s32 $_size_execute0_lowered;
	s3 =	sadd.s32 s3, s5;
	[dreg:$0x0] =	wrdreg $0x0  }
0x20: {  	s5 =	sshll.u32 s28, $0x1;
	[dreg:$0x2] =	wrdreg s3  }
0x21: {  	[dreg:$0x3] =	wrdreg s5  }
0x22: {  	[dreg:$0x4] =	wrdreg $0xC0  }
0x23: {  	_ =	task [dreg:s7], $0x5FFFF  }
0x24: {  	[dreg:$0x1] =	wrdreg $0xFFFFFFFF  }
0x25: {  	[dreg:$0x0] =	wrdreg $0x60  }
0x26: {  	[dreg:$0x2] =	wrdreg s25  }
0x27: {  	[dreg:$0x3] =	wrdreg s2  }
0x28: {  	[dreg:$0x4] =	wrdreg $0x9  }
0x29: {  	_ =	task.clear_ibuf [dreg:s7], $0x5FFFF;
	_ =	strace $0x90000049  }
0x2a: {  	s29 =	simm.s32 $0x9;
	_ =	strace $0x8000004B  }
0x2b: {  	_ =	swait.ge [sflag:s29], $0x1  }
0x2c: {  	[sflag:s29] =	ssyncadd.s32 $0xFFFFFFFF  }
0x2d: {  	_ =	strace $0x9000004B  }
0x2e: {  	_ =	sfence  }
0x2f: {  	s30 =	sld [smem:$0x0];
	_ =	sdelay $0x2  }
0x30: {  	s31 =	sshll.u32 s1, $0xD;
	s1 =	sshrl.u32 s1, $0x2  }
0x31: {  	s3 =	sand.u32 $0x4000, s31;
	s1 =	sadd.s32 s1, s30  }
0x32: {  	s0 =	sor.u32 s3, s0;
	s1 =	sshll.u32 s1, $0x11  }
0x33: {  	s0 =	sor.u32 s1, s0  }
0x34: {  	s0 =	sadd.s32 $0x8F2B, s0  }
0x35: {  	[sflag:s0] =	ssyncadd.remote.s32 $0x1  }
0x36: {  	_ =	sfence.sel $0xFFFF  }
0x37: {  	[dreg:$0x0] =	wrdreg $0xFFFFFFFF;
	(pc) =	sbr.abs _section_cstart, $3  }
0x38: {  	[dreg:$0x1] =	wrdreg $0xFFFFFFFF  }
0x39: {  	_ =	task.clear_ibuf [dreg:s7], $0x2FFFF;
	_ =	strace $0x9FFFFFFF  }
0x3a: {  	(tm) =	ssettm $0x7FFFFFFF  }
0x3b: {  	_ =	shalt  }
tec
execute0_lowered:
.L_overlay_start_1:
0x0: {  	(tag) =	ssettag $0x1  }
0x1: {  	s0 =	stileid.u32;
	s4 =	rddreg [dreg:$0x0]  }
0x2: {  	s1 =	srdreg.scid;
	s3 =	rddreg [dreg:$0x1]  }
0x3: {  	s8 =	simm.s32 $0x2;
	s2 =	sshll.u32 s0, $0x5;
	s1 =	sshll.u32 s1, $0x9  }
0x4: {  	s14 =	simm.s32 $0x0;
	s9 =	simm.s32 $0x400;
	s1 =	sor.u32 s2, s1  }
0x5: {  	s10 =	simm.s32 $0x2000;
	s15 =	simm.s32 $0x0;
	s2 =	sand.u32 $0x380, s1  }
0x6: {  	s16 =	simm.s32 $0x0;
	s11 =	simm.s32 $0x0;
	s5 =	ssub.s32 $0x400, s2  }
0x7: {  	s1 =	rddreg [dreg:$0x2];
	_ =	strace $0x8000004A;
	s6 =	sand.u32 $0x380, s5  }
0x8: {  	s7 =	sshll.u32 s2, $0x4;
	p0 =	sne.s32 s6, $0x0;
	s6 =	simm.s32 $0x1  }
.Ltmp0:
0x9: {  	s5 =	sshrl.u32 s5, $0xA;
	s6 =	simm.s32 @!p0 $0x0;
	(pc) =	sbr.rel .LBB1_1-.Ltmp0, $4  }
0xa: {  	s7 =	sadd.s32 s7, s4;
	s4 =	simm.s32 $0x1;
	s5 =	sadd.s32 s6, s5  }
0xb: {  	s13 =	simm.s32 $0x0;
	[sflag:s4] =	ssyncpa.u1 $0x0;
	s5 =	smul.u32 $0x43, s5  }
0xc: {  	s7 =	sadd.s32 $0x800, s7;
	[sflag:s8] =	ssyncpa.u1 $0x0;
	s6 =	sand.u32 $0x3, s0  }
0xd: {  	p0 =	por $0x0, $0x0;
	s12 =	smov.u32 s6;
	s8 =	sadd.s32 $0x1, s5  }
.LBB1_4:
0xe: {  	s16 =	smul.u32 $0x43000, s16;
	_ =	sdelay $0x1  }
0xf: {  	s15 =	sshll.u32 s15, $0xC;
	s16 =	sadd.s32 s3, s16  }
0x10: {  	s15 =	sadd.s32 s15, s16  }
0x11: {  	[tilespmem:s20+$0x0 ss:$0x81] =	vst.msk $0xffff, v0;
	s14 =	sadd.s32 s14, s15  }
0x12: {  	[hbm4b:s14+s9] =	stream.strided.scatter [tilespmem:s17], [sflag:$0x2], $0x1000, s10, s9, $0x20;
	[tilespmem:$0x4040] =	vst v63  }
.LBB1_5:
0x13: {  	s17 =	sadd.s32 $0x1, s11  }
0x14: {  	s15 =	sadd.s32 $0x4, s12;
	s18 =	smov.u32 s12;
	p2 =	sgt.s32 s17, $0x42  }
0x15: {  	s18 =	smov.u32 @p2 s15  }
0x16: {  	s17 =	simm.s32 @p2 $0x0;
	p2 =	sgt.s32 s18, $0x3  }
0x17: {  	s18 =	smov.u32 @p2 s6;
	p2 =	sne.s32 s13, s8  }
.Ltmp1:
0x18: {  	p1 =	slt.u32 s13, $0x2;
	(pc) =	sbr.rel @!p2 .LBB1_6-.Ltmp1, $4  }
0x19: {  	s16 =	smov.u32 s12;
	s14 =	simm.s32 @!p1 $0x2  }
0x1a: {  	p0 =	por !p0, !p0;
	_ =	swait.ge @!p1 [sflag:s14], $0x1000;
	s15 =	smov.u32 s11  }
0x1b: {  	[sflag:s14] =	ssyncset.done @!p1 $0x0;
	s11 =	smov.u32 s17;
	s13 =	sadd.s32 $0x1, s13  }
0x1c: {  	[sflag:s14] =	ssyncadd.s32 @!p1 $0xFFFFF000;
	s14 =	smov.u32 s2;
	s12 =	smov.u32 s18  }
.LBB1_1:
0x1d: {  	p1 =	sge.u32 s13, s5  }
0x1e: {  	s18 =	smul.u32 @!p1 $0x10C000, s12  }
0x1f: {  	s31 =	sadd.s32 $0xFFFFFFFF, s13;
	s17 =	sxor.u32 @!p1 $0xFFFFFFFF, s13;
	s19 =	sshll.u32 @!p1 s11, $0xE  }
0x20: {  	s20 =	simm.s32 @!p1 $0x80;
	s17 =	sshll.u32 @!p1 s17, $0xC;
	s18 =	sadd.s32 @!p1 s18, s7  }
0x21: {  	s17 =	sand.u32 @!p1 $0x1000, s17;
	s18 =	sadd.s32 @!p1 s19, s18;
	s19 =	simm.s32 @!p1 $0x20  }
0x22: {  	[tilespmem:s17], [sflag:$0x1] =	stream.strided.gather @!p1 [hbm4b:s18+s19], $0x1000, s20, s19, $0x38;
	[tilespmem:$0x4040] =	vst v63  }
0x23: {  	p1 =	sge.u32 s31, s5  }
.Ltmp2:
0x24: {  	_ = 	snop;
	(pc) =	sbr.rel @p1 .LBB1_5-.Ltmp2, $1  }
0x25: {  	_ =	sdelay $0x3  }
0x26: {  	s17 =	simm.s32 $0x1  }
0x27: {  	_ =	swait.ge [sflag:s4], $0x1000;
	s17 =	simm.s32 @!p0 $0x0  }
0x28: {  	[sflag:s4] =	ssyncset.done $0x0;
	s18 =	sshll.u32 s17, $0xC  }
0x29: {  	[sflag:s4] =	ssyncadd.s32 $0xFFFFF000;
	s21 =	sor.u32 $0x10, s18  }
0x2a: {  	s17 =	smul.u32 $0x4080, s17;
	v1 =	vld [tilespmem:s21+$0x0]  }
0x2b: {  	s30 =	sand.u32 $0x1, s13;
	v0 =	vld [tilespmem:s21+$0xFFFFFFF0]  }
0x2c: {  	s19 =	smul.u32 $0x4080, s30;
	s17 =	sshrl.u32 s17, $0x2  }
0x2d: {  	s18 =	sor.u32 $0x2000, s17  }
0x2e: {  	s31 =	sshrl.u32 s19, $0x2;
	s20 =	sadd.s32 $0x0, s18  }
0x2f: {  	s19 =	simm.s32 $0x4;
	s21 =	sadd.s32 $0x20, s21;
	s17 =	sor.u32 $0x2000, s31;
	[tilespmem:s20+$0x810 ss:$0x81] =	vst.msk $0xffff, v1  }
.LBB1_3:
0x30: {  	v1 =	vld [tilespmem:s21+$0x0];
	p1 =	sne.s32 s19, $0x1FC;
	[tilespmem:s20+$0x0 ss:$0x81] =	vst.msk $0xffff, v0;
	s20 =	smov.u32 s19;
	s19 =	sadd.s32 $0x4, s19  }
.Ltmp3:
0x31: {  	v0 =	vld [tilespmem:s21+$0xFFFFFFF0];
	(pc) =	sbr.rel @p1 .LBB1_3-.Ltmp3, $4  }
0x32: {  	_ = 	snop  }
0x33: {  	s20 =	sshra.s32 s20, $0x2  }
0x34: {  	s20 =	sadd.s32 s20, s18  }
0x35: {  	s21 =	sadd.s32 $0x20, s21;
	[tilespmem:s20+$0x810 ss:$0x81] =	vst.msk $0xffff, v1  }
.Ltmp4:
0x36: {  	_ = 	snop;
	(pc) =	sbr.rel .LBB1_4-.Ltmp4, $1  }
0x37: {  	_ =	sdelay $0x3  }
.LBB1_6:
0x38: {  	_ =	sfence.sel $0x180000  }
0x39: {  	s2 =	simm.s32 $0x1;
	[bflag:$0x0] =	sbarrier.arrive $0xFFFF  }
0x3a: {  	s31 =	simm.s32 $0x2;
	[sflag:s2] =	ssyncpa.u1 $0x1  }
0x3b: {  	[sflag:s31] =	ssyncpa.u1 $0x1  }
0x3c: {  	p0 =	sne.s32 s0, $0x0;
	_ =	strace $0x9000004A  }
0x3d: {  	s0 =	sadd.s32 @!p0 $0x100000, s1;
	[bflag:$0x2] =	sbarrier.arrive $0xFFFF  }
0x3e: {  	[sflag:s0] =	ssyncadd.tile.s32 @!p0 $0x1;
	_ =	shalt  }
.Lfunc_end1:
_tile_overlayer_lowered:
.L_overlay_start_2:
0x3f: {  	(tag) =	ssettag $0x2  }
0x40: {  	s0 =	rddreg [dreg:$0x0];
	s2 =	stileid.u32  }
0x41: {  	s1 =	rddreg [dreg:$0x1];
	p0 =	sne.s32 s2, $0x0  }
0x42: {  	s3 =	rddreg [dreg:$0x2];
	[bflag:$0x3] =	sbarrier.arrive $0xFFFF;
	s2 =	simm.s32 @!p0 $0x1C01  }
0x43: {  	[timem:s3], [sflag:s2] =	dma.local @!p0 [hbm:s0], s1  }
0x44: {  	s0 =	simm.s32 @!p0 $0x1  }
0x45: {  	_ =	swait.ge @!p0 [sflag:s0], s1  }
0x46: {  	s1 =	ssub.s32 @!p0 $0x0, s1;
	[sflag:s0] =	ssyncset.done @!p0 $0x0  }
0x47: {  	[sflag:s0] =	ssyncadd.s32 @!p0 s1  }
0x48: {  	[bflag:$0x3] =	sbarrier.arrive $0xFFFF  }
0x49: {  	_ =	shalt  }

</sc_bundles>
